<compile_context>
chip_gen: v7x
topology: tpu7x:2x2x1
jax: 0.10.2.dev20260603
libtpu: 0.0.44.dev20260713+nightly
codegen_flags: <defaults>
</compile_context>

<pallas_src>
import functools

import jax
import jax.numpy as jnp
from jax import lax
from jax.experimental import pallas as pl
from jax.experimental.pallas import tpu as pltpu
from jax.experimental.pallas import tpu_sc as plsc

NCORES = 2
NTILES = 16
NW = NCORES * NTILES
CS = 128
NBUF = 2
AGG_SPLIT0 = 0.48


def _sc_degree(col3, ones_h, zeros_h, n_pad, nch, rpt, d):
    mesh = plsc.VectorSubcoreMesh(core_axis_name="c", subcore_axis_name="s")

    @functools.partial(
        pl.kernel,
        out_type=jax.ShapeDtypeStruct((NCORES, n_pad, d), jnp.float32),
        mesh=mesh,
        scratch_types=[
            pltpu.VMEM((nch, CS), jnp.int32),
            pltpu.VMEM((CS, d), jnp.float32),
            pltpu.VMEM_SHARED((n_pad, d), jnp.float32),
        ] + [pltpu.SemaphoreType.DMA] * NBUF,
    )
    def deg_kernel(col_h, ones_hbm, zeros_hbm, out_h, idx_v, ones_v, acc,
                   *sems):
        cid = lax.axis_index("c")
        sid = lax.axis_index("s")
        wid = cid * NTILES + sid
        pltpu.sync_copy(col_h.at[wid], idx_v)
        pltpu.sync_copy(ones_hbm, ones_v)
        pltpu.sync_copy(zeros_hbm, acc.at[pl.ds(sid * rpt, rpt)])
        plsc.subcore_barrier()

        def body(p, carry):
            base = p * NBUF
            for i in range(NBUF):
                @pl.when(p > 0)
                def _wait():
                    pltpu.make_async_copy(ones_hbm, ones_v, sems[i]).wait()
                pltpu.async_copy(ones_v, acc.at[idx_v.at[base + i]], sems[i],
                                 add=True)
            return carry

        lax.fori_loop(0, nch // NBUF, body, 0)
        for i in range(NBUF):
            pltpu.make_async_copy(ones_hbm, ones_v, sems[i]).wait()
        plsc.subcore_barrier()
        pltpu.sync_copy(acc.at[pl.ds(sid * rpt, rpt)],
                        out_h.at[cid, pl.ds(sid * rpt, rpt)])

    return deg_kernel(col3, ones_h, zeros_h)


def _sc_aggregate(xs, row3, col3, zeros_h, n_pad, nch, rpt, d):
    mesh = plsc.VectorSubcoreMesh(core_axis_name="c", subcore_axis_name="s")

    @functools.partial(
        pl.kernel,
        out_type=jax.ShapeDtypeStruct((NCORES, n_pad, d), jnp.float32),
        mesh=mesh,
        scratch_types=[
            pltpu.VMEM((nch, CS), jnp.int32),
            pltpu.VMEM((nch, CS), jnp.int32),
            pltpu.VMEM((CS, d), jnp.float32),
            pltpu.SemaphoreType.DMA,
            pltpu.VMEM_SHARED((n_pad, d), jnp.float32),
        ],
    )
    def agg_kernel(xs_h, row_h, col_h, zeros_hbm, out_h,
                   ridx, cidx, buf, sem, acc):
        cid = lax.axis_index("c")
        sid = lax.axis_index("s")
        wid = cid * NTILES + sid
        pltpu.sync_copy(row_h.at[wid], ridx)
        pltpu.sync_copy(col_h.at[wid], cidx)
        pltpu.sync_copy(zeros_hbm, acc.at[pl.ds(sid * rpt, rpt)])
        plsc.subcore_barrier()

        def body(j, carry):
            pltpu.async_copy(xs_h.at[ridx.at[j]], buf, sem).wait()
            pltpu.sync_copy(buf, acc.at[cidx.at[j]], add=True)
            return carry

        lax.fori_loop(0, nch, body, 0)
        plsc.subcore_barrier()
        pltpu.sync_copy(acc.at[pl.ds(sid * rpt, rpt)],
                        out_h.at[cid, pl.ds(sid * rpt, rpt)])

    return agg_kernel(xs, row3, col3, zeros_h)


def _scale_body(x_ref, dg_ref, o_ref):
    cnt = dg_ref[0, :, 0:1] + dg_ref[1, :, 0:1] + 1.0
    o_ref[...] = x_ref[...] * lax.rsqrt(cnt)


def _tc_scale(x, degs, bl):
    n, d = x.shape
    return pl.pallas_call(
        _scale_body,
        grid=(n // bl,),
        in_specs=[
            pl.BlockSpec((bl, d), lambda i: (i, 0)),
            pl.BlockSpec((NCORES, bl, 16), lambda i: (0, i, 0)),
        ],
        out_specs=pl.BlockSpec((bl, d), lambda i: (i, 0)),
        out_shape=jax.ShapeDtypeStruct((n, d), jnp.float32),
    )(x, degs)


def _dense_body(nk, x_ref, xs_ref, p_ref, dg_ref, ws_ref, bs_ref, wd_ref,
                bd_ref, o_ref):
    x = x_ref[...]
    cnt = dg_ref[0, :, 0:1] + dg_ref[1, :, 0:1] + 1.0
    dinv = lax.rsqrt(cnt)
    agg = (p_ref[0] + p_ref[1] + xs_ref[...]) * dinv
    logits = jnp.dot(x, wd_ref[...], preferred_element_type=jnp.float32)
    logits = logits + bd_ref[...]
    lane = lax.broadcasted_iota(jnp.int32, logits.shape, 1)
    valid = lane < nk
    logits = jnp.where(valid, logits, -1e30)
    m = jnp.max(logits, axis=-1, keepdims=True)
    e = jnp.where(valid, jnp.exp(logits - m), 0.0)
    coeff = e / jnp.sum(e, axis=-1, keepdims=True)
    acc = jnp.zeros_like(x)
    for k in range(nk):
        f = jnp.dot(agg, ws_ref[k], preferred_element_type=jnp.float32)
        f = jnp.maximum(f + bs_ref[k], 0.0)
        acc = acc + f * coeff[:, k:k + 1]
    o_ref[...] = acc


def _tc_dense(x, xs, P, degs, Ws, bs, Wdp, bdp, bl):
    n, d = x.shape
    nk = Ws.shape[0]
    return pl.pallas_call(
        functools.partial(_dense_body, nk),
        grid=(n // bl,),
        in_specs=[
            pl.BlockSpec((bl, d), lambda i: (i, 0)),
            pl.BlockSpec((bl, d), lambda i: (i, 0)),
            pl.BlockSpec((NCORES, bl, d), lambda i: (0, i, 0)),
            pl.BlockSpec((NCORES, bl, 16), lambda i: (0, i, 0)),
            pl.BlockSpec((nk, d, d), lambda i: (0, 0, 0)),
            pl.BlockSpec((nk, d), lambda i: (0, 0)),
            pl.BlockSpec((d, d), lambda i: (0, 0)),
            pl.BlockSpec((1, d), lambda i: (0, 0)),
        ],
        out_specs=pl.BlockSpec((bl, d), lambda i: (i, 0)),
        out_shape=jax.ShapeDtypeStruct((n, d), jnp.float32),
    )(x, xs, P, degs, Ws, bs, Wdp, bdp)


def kernel(x, edge_index, Ws, bs, Wd, bd):
    n, d = x.shape
    e = edge_index.shape[1]
    nk = Ws.shape[0]
    na = Wd.shape[1]

    ept = -(-e // (NW * CS * 4)) * CS * 4
    e_pad = ept * NW
    nch = ept // CS
    n_pad = -(-(n + CS) // (NTILES * 8)) * (NTILES * 8)
    rpt = n_pad // NTILES

    row = edge_index[0].astype(jnp.int32)
    col = edge_index[1].astype(jnp.int32)
    pad = e_pad - e
    row3 = jnp.concatenate([row, jnp.zeros((pad,), jnp.int32)]).reshape(NW, nch, CS)
    dump = n + (jnp.arange(pad, dtype=jnp.int32) % CS)
    col3 = jnp.concatenate([col, dump]).reshape(NW, nch, CS)
    ones_h = jnp.ones((CS, d), jnp.float32)
    zagg = jnp.zeros((rpt, d), jnp.float32)

    R = -(-e // (NTILES * CS))
    r0 = min(max(int(round(R * AGG_SPLIT0)), 1), R - 1)
    r1 = R - r0
    nmx = max(r0, r1)
    e_padA = R * NTILES * CS
    padA = e_padA - e
    dumpA = n + (jnp.arange(padA, dtype=jnp.int32) % CS)
    spreadA = jnp.arange(padA, dtype=jnp.int32) % CS
    chr_ = jnp.concatenate([row, spreadA]).reshape(-1, CS)
    chc_ = jnp.concatenate([col, dumpA]).reshape(-1, CS)
    dump_row = jnp.arange(CS, dtype=jnp.int32)
    dump_col = n + jnp.arange(CS, dtype=jnp.int32)

    def _core_layout(chunks, r_real, fill):
        part = chunks.reshape(NTILES, r_real, CS)
        if r_real == nmx:
            return part
        extra = jnp.broadcast_to(fill, (NTILES, nmx - r_real, CS))
        return jnp.concatenate([part, extra], axis=1)

    row3a = jnp.concatenate([
        _core_layout(chr_[:NTILES * r0], r0, dump_row),
        _core_layout(chr_[NTILES * r0:], r1, dump_row)], axis=0)
    col3a = jnp.concatenate([
        _core_layout(chc_[:NTILES * r0], r0, dump_col),
        _core_layout(chc_[NTILES * r0:], r1, dump_col)], axis=0)

    degc = _sc_degree(col3, ones_h, zagg, n_pad, nch, rpt, d)
    degs = degc[:, :n, :16]
    bl = 2000
    xs = _tc_scale(x, degs, bl)
    P = _sc_aggregate(xs, row3a, col3a, zagg, n_pad, nmx, rpt, d)[:, :n, :]

    Wdp = jnp.zeros((d, d), jnp.float32).at[:, :na].set(Wd)
    bdp = jnp.zeros((1, d), jnp.float32).at[0, :na].set(bd)
    return _tc_dense(x, xs, P, degs, Ws, bs, Wdp, bdp, bl)

# --- scband reference (transcript-rebuilt; emitter-appended) ---
"""Pipeline reference for scband-graph-convolution-3401614098590 (READ-ONLY COPY).

The authoritative reference and input builder live on the scoring server;
editing this copy changes nothing except your own understanding.
"""

import jax, jax.numpy as jnp
import numpy as np

N = 10000
E = 320000
D = 128
KERNELS = 4
NUM_ATOMS = 4


def setup_inputs(seed: int = 0) -> dict:
    key = jax.random.key(seed)
    k1, k2, k3, k4 = jax.random.split(key, 4)
    x = jax.random.normal(k1, (N, D), dtype=jnp.float32)
    edge_index = jax.random.randint(k2, (2, E), 0, N, dtype=jnp.int64)
    # GCNConv weights for each of the `kernels` convolutions (glorot-ish scale)
    scale = 1.0 / np.sqrt(D)
    Ws = jax.random.normal(k3, (KERNELS, D, D), dtype=jnp.float32) * scale
    bs = jnp.zeros((KERNELS, D), dtype=jnp.float32)
    # dictionary_module: Linear(D, NUM_ATOMS) followed by softmax -> per-node atom coefficients
    Wd = jax.random.normal(k4, (D, NUM_ATOMS), dtype=jnp.float32) * scale
    bd = jnp.zeros((NUM_ATOMS,), dtype=jnp.float32)
    return {"x": x, "edge_index": edge_index, "Ws": Ws, "bs": bs, "Wd": Wd, "bd": bd}


def _gcn_conv(x, row, col, norm, W, b, n_nodes):
    h = x @ W
    msg = h[row] * norm[:, None]
    out = jax.ops.segment_sum(msg, col, num_segments=n_nodes)
    return out + b


def reference(x, edge_index, Ws, bs, Wd, bd):
    n_nodes = x.shape[0]
    # dictionary module: per-node coefficients over atoms
    coefficients = jax.nn.softmax(x @ Wd + bd, axis=-1)
    # add self loops (PyG GCNConv default)
    loops = jnp.arange(n_nodes, dtype=edge_index.dtype)
    row = jnp.concatenate([edge_index[0], loops])
    col = jnp.concatenate([edge_index[1], loops])
    # symmetric normalization D^-1/2 (A+I) D^-1/2
    deg = jnp.zeros((n_nodes,), dtype=x.dtype).at[col].add(1.0)
    deg_inv_sqrt = jnp.where(deg > 0, jax.lax.rsqrt(deg), 0.0)
    norm = deg_inv_sqrt[row] * deg_inv_sqrt[col]
    total_x = None
    for idx in range(KERNELS):
        feature = _gcn_conv(x, row, col, norm, Ws[idx], bs[idx], n_nodes)
        feature = jax.nn.relu(feature)
        atom_coefficients = coefficients[:, idx % NUM_ATOMS][:, None]
        weighted_feature = feature * atom_coefficients
        total_x = weighted_feature if total_x is None else total_x + weighted_feature
    return total_x

if __name__ == "__main__":
    import jax
    _d = setup_inputs()
    print(jax.jit(kernel)(*tuple(_d.values())))

</pallas_src>

<mosaic_0001>
#map = affine_map<(d0, d1) -> (0, 0, 0)>
#map1 = affine_map<(d0, d1) -> (0, 0)>
module attributes {stable_mosaic.version = 14 : i64} {
  func.func @deg_kernel(%arg0: i32, %arg1: i32, %arg2: memref<32x80x128xi32, #tpu.memory_space<hbm>>, %arg3: memref<128x128xf32, #tpu.memory_space<hbm>>, %arg4: memref<640x128xf32, #tpu.memory_space<hbm>>, %arg5: memref<2x10240x128xf32, #tpu.memory_space<hbm>>, %arg6: memref<80x128xi32, #tpu.memory_space<vmem>>, %arg7: memref<128x128xf32, #tpu.memory_space<vmem>>, %arg8: memref<10240x128xf32, #tpu.memory_space<vmem_shared>>, %arg9: memref<!tpu.dma_semaphore, #tpu.memory_space<semaphore_mem>>, %arg10: memref<!tpu.dma_semaphore, #tpu.memory_space<semaphore_mem>>) attributes {dimension_semantics = [#tpu.dimension_semantics<core_parallel>, #tpu.dimension_semantics<subcore_parallel>], iteration_bounds = array<i64: 2, 16>, scalar_prefetch = 0 : i64, scratch_operands = 5 : i64, tpu.core_type = #tpu.core_type<sc_vector_subcore>, window_params = [{transform_indices = #map}, {transform_indices = #map1}, {transform_indices = #map1}, {transform_indices = #map}]} {
    %mul3A = arith.constant 16 : i32
    %mul3A_0 = arith.muli %arg0, %mul3A : i32
    %add3A = arith.addi %mul3A_0, %arg1 : i32
    "tpu.region"() ({
      %run_scoped3A = tpu.sem_alloc : memref<!tpu.dma_semaphore, #tpu.memory_space<semaphore_mem>>
      %dma_start3A = arith.constant 0 : i32
      %dma_start3A_13 = arith.constant 0 : i32
      %dma_start3A_14 = tpu.memref_slice %arg2[%add3A, %dma_start3A, %dma_start3A_13] : memref<32x80x128xi32, #tpu.memory_space<hbm>> -> memref<1x80x128xi32, #tpu.memory_space<hbm>>
      %dma_start3A_15 = tpu.memref_squeeze %dma_start3A_14 : memref<1x80x128xi32, #tpu.memory_space<hbm>> -> memref<80x128xi32, #tpu.memory_space<hbm>>
      %dma_start3A_16 = arith.constant 0 : i32
      %dma_start3A_17 = arith.constant 0 : i32
      %dma_start3A_18 = tpu.memref_slice %arg2[%add3A, %dma_start3A_16, %dma_start3A_17] : memref<32x80x128xi32, #tpu.memory_space<hbm>> -> memref<1x80x128xi32, #tpu.memory_space<hbm>>
      %dma_start3A_19 = tpu.memref_squeeze %dma_start3A_18 : memref<1x80x128xi32, #tpu.memory_space<hbm>> -> memref<80x128xi32, #tpu.memory_space<hbm>>
      tpu.enqueue_dma source(%dma_start3A_19 : memref<80x128xi32, #tpu.memory_space<hbm>>) target(%arg6 : memref<80x128xi32, #tpu.memory_space<vmem>>) target_semaphore(%run_scoped3A : memref<!tpu.dma_semaphore, #tpu.memory_space<semaphore_mem>>)
      %dma_wait3A = arith.constant 0 : i32
      %dma_wait3A_20 = arith.constant 0 : i32
      %dma_wait3A_21 = tpu.memref_slice %arg2[%add3A, %dma_wait3A, %dma_wait3A_20] : memref<32x80x128xi32, #tpu.memory_space<hbm>> -> memref<1x80x128xi32, #tpu.memory_space<hbm>>
      %dma_wait3A_22 = tpu.memref_squeeze %dma_wait3A_21 : memref<1x80x128xi32, #tpu.memory_space<hbm>> -> memref<80x128xi32, #tpu.memory_space<hbm>>
      %dma_wait3A_23 = arith.constant 0 : i32
      %dma_wait3A_24 = arith.constant 0 : i32
      %dma_wait3A_25 = tpu.memref_slice %arg2[%add3A, %dma_wait3A_23, %dma_wait3A_24] : memref<32x80x128xi32, #tpu.memory_space<hbm>> -> memref<1x80x128xi32, #tpu.memory_space<hbm>>
      %dma_wait3A_26 = tpu.memref_squeeze %dma_wait3A_25 : memref<1x80x128xi32, #tpu.memory_space<hbm>> -> memref<80x128xi32, #tpu.memory_space<hbm>>
      tpu.wait_dma2 semaphore(%run_scoped3A : memref<!tpu.dma_semaphore, #tpu.memory_space<semaphore_mem>>) src(%dma_wait3A_26 : memref<80x128xi32, #tpu.memory_space<hbm>>) dst(%arg6 : memref<80x128xi32, #tpu.memory_space<vmem>>)
      tpu.yield
    }) : () -> ()
    "tpu.region"() ({
      %run_scoped3A = tpu.sem_alloc : memref<!tpu.dma_semaphore, #tpu.memory_space<semaphore_mem>>
      tpu.enqueue_dma source(%arg3 : memref<128x128xf32, #tpu.memory_space<hbm>>) target(%arg7 : memref<128x128xf32, #tpu.memory_space<vmem>>) target_semaphore(%run_scoped3A : memref<!tpu.dma_semaphore, #tpu.memory_space<semaphore_mem>>)
      tpu.wait_dma2 semaphore(%run_scoped3A : memref<!tpu.dma_semaphore, #tpu.memory_space<semaphore_mem>>) src(%arg3 : memref<128x128xf32, #tpu.memory_space<hbm>>) dst(%arg7 : memref<128x128xf32, #tpu.memory_space<vmem>>)
      tpu.yield
    }) : () -> ()
    %mul3A_1 = arith.constant 640 : i32
    %mul3A_2 = arith.muli %arg1, %mul3A_1 : i32
    "tpu.region"() ({
      %run_scoped3A = tpu.sem_alloc : memref<!tpu.dma_semaphore, #tpu.memory_space<semaphore_mem>>
      %dma_start3A = arith.constant 0 : i32
      %dma_start3A_13 = tpu.memref_slice %arg8[%mul3A_2, %dma_start3A] : memref<10240x128xf32, #tpu.memory_space<vmem_shared>> -> memref<640x128xf32, #tpu.memory_space<vmem_shared>>
      tpu.enqueue_dma source(%arg4 : memref<640x128xf32, #tpu.memory_space<hbm>>) target(%dma_start3A_13 : memref<640x128xf32, #tpu.memory_space<vmem_shared>>) target_semaphore(%run_scoped3A : memref<!tpu.dma_semaphore, #tpu.memory_space<semaphore_mem>>)
      %dma_wait3A = arith.constant 0 : i32
      %dma_wait3A_14 = tpu.memref_slice %arg8[%mul3A_2, %dma_wait3A] : memref<10240x128xf32, #tpu.memory_space<vmem_shared>> -> memref<640x128xf32, #tpu.memory_space<vmem_shared>>
      tpu.wait_dma2 semaphore(%run_scoped3A : memref<!tpu.dma_semaphore, #tpu.memory_space<semaphore_mem>>) src(%arg4 : memref<640x128xf32, #tpu.memory_space<hbm>>) dst(%dma_wait3A_14 : memref<640x128xf32, #tpu.memory_space<vmem_shared>>)
      tpu.yield
    }) : () -> ()
    %barrier3A = arith.constant 0 : index
    tpu.barrier barrier_id(%barrier3A)
    %scan3A = arith.constant 0 : i32
    %scan3A_3 = arith.constant 0 : i32
    %scan3A_4 = arith.constant 40 : i32
    %scan3A_5 = arith.addi %scan3A_3, %scan3A_4 : i32
    %scan3A_6 = arith.constant 1 : i32
    scf.for %scan3A_13 = %scan3A_3 to %scan3A_5 step %scan3A_6  : i32 {
      %mul3A_14 = arith.constant 2 : i32
      %mul3A_15 = arith.muli %scan3A_13, %mul3A_14 : i32
      %gt3A = arith.constant 0 : i32
      %gt3A_16 = arith.cmpi sgt, %scan3A_13, %gt3A : i32
      %convert_element_type3A = arith.extui %gt3A_16 : i1 to i32
      %cond3A = arith.constant 0 : i32
      %cond3A_17 = arith.cmpi ne, %convert_element_type3A, %cond3A : i32
      scf.if %cond3A_17 {
        tpu.wait_dma2 semaphore(%arg9 : memref<!tpu.dma_semaphore, #tpu.memory_space<semaphore_mem>>) src(%arg3 : memref<128x128xf32, #tpu.memory_space<hbm>>) dst(%arg7 : memref<128x128xf32, #tpu.memory_space<vmem>>)
      } else {
      }
      %add3A_18 = arith.constant 0 : i32
      %add3A_19 = arith.addi %mul3A_15, %add3A_18 : i32
      %dma_start3A = arith.constant 0 : i32
      %dma_start3A_20 = tpu.memref_slice %arg6[%add3A_19, %dma_start3A] : memref<80x128xi32, #tpu.memory_space<vmem>> -> memref<1x128xi32, #tpu.memory_space<vmem>>
      %dma_start3A_21 = tpu.memref_squeeze %dma_start3A_20 : memref<1x128xi32, #tpu.memory_space<vmem>> -> memref<128xi32, #tpu.memory_space<vmem>>
      %dma_start3A_22 = arith.constant 0 : i32
      %dma_start3A_23 = arith.constant 0 : i32
      %dma_start3A_24 = tpu.memref_slice %arg8[%dma_start3A_22, %dma_start3A_23] : memref<10240x128xf32, #tpu.memory_space<vmem_shared>> -> memref<10240x128xf32, #tpu.memory_space<vmem_shared>>
      tpu.enqueue_indirect_dma source(%arg7 : memref<128x128xf32, #tpu.memory_space<vmem>>) target(%dma_start3A_24 : memref<10240x128xf32, #tpu.memory_space<vmem_shared>>) offsets(%dma_start3A_21 : memref<128xi32, #tpu.memory_space<vmem>>) semaphore(%arg9 : memref<!tpu.dma_semaphore, #tpu.memory_space<semaphore_mem>>) {add = true}
      %gt3A_25 = arith.constant 0 : i32
      %gt3A_26 = arith.cmpi sgt, %scan3A_13, %gt3A_25 : i32
      %convert_element_type3A_27 = arith.extui %gt3A_26 : i1 to i32
      %cond3A_28 = arith.constant 0 : i32
      %cond3A_29 = arith.cmpi ne, %convert_element_type3A_27, %cond3A_28 : i32
      scf.if %cond3A_29 {
        tpu.wait_dma2 semaphore(%arg10 : memref<!tpu.dma_semaphore, #tpu.memory_space<semaphore_mem>>) src(%arg3 : memref<128x128xf32, #tpu.memory_space<hbm>>) dst(%arg7 : memref<128x128xf32, #tpu.memory_space<vmem>>)
      } else {
      }
      %add3A_30 = arith.constant 1 : i32
      %add3A_31 = arith.addi %mul3A_15, %add3A_30 : i32
      %dma_start3A_32 = arith.constant 0 : i32
      %dma_start3A_33 = tpu.memref_slice %arg6[%add3A_31, %dma_start3A_32] : memref<80x128xi32, #tpu.memory_space<vmem>> -> memref<1x128xi32, #tpu.memory_space<vmem>>
      %dma_start3A_34 = tpu.memref_squeeze %dma_start3A_33 : memref<1x128xi32, #tpu.memory_space<vmem>> -> memref<128xi32, #tpu.memory_space<vmem>>
      %dma_start3A_35 = arith.constant 0 : i32
      %dma_start3A_36 = arith.constant 0 : i32
      %dma_start3A_37 = tpu.memref_slice %arg8[%dma_start3A_35, %dma_start3A_36] : memref<10240x128xf32, #tpu.memory_space<vmem_shared>> -> memref<10240x128xf32, #tpu.memory_space<vmem_shared>>
      tpu.enqueue_indirect_dma source(%arg7 : memref<128x128xf32, #tpu.memory_space<vmem>>) target(%dma_start3A_37 : memref<10240x128xf32, #tpu.memory_space<vmem_shared>>) offsets(%dma_start3A_34 : memref<128xi32, #tpu.memory_space<vmem>>) semaphore(%arg10 : memref<!tpu.dma_semaphore, #tpu.memory_space<semaphore_mem>>) {add = true}
    }
    %scan3A_7 = arith.constant 40 : i32
    tpu.wait_dma2 semaphore(%arg9 : memref<!tpu.dma_semaphore, #tpu.memory_space<semaphore_mem>>) src(%arg3 : memref<128x128xf32, #tpu.memory_space<hbm>>) dst(%arg7 : memref<128x128xf32, #tpu.memory_space<vmem>>)
    tpu.wait_dma2 semaphore(%arg10 : memref<!tpu.dma_semaphore, #tpu.memory_space<semaphore_mem>>) src(%arg3 : memref<128x128xf32, #tpu.memory_space<hbm>>) dst(%arg7 : memref<128x128xf32, #tpu.memory_space<vmem>>)
    %barrier3A_8 = arith.constant 0 : index
    tpu.barrier barrier_id(%barrier3A_8)
    %mul3A_9 = arith.constant 640 : i32
    %mul3A_10 = arith.muli %arg1, %mul3A_9 : i32
    %mul3A_11 = arith.constant 640 : i32
    %mul3A_12 = arith.muli %arg1, %mul3A_11 : i32
    "tpu.region"() ({
      %run_scoped3A = tpu.sem_alloc : memref<!tpu.dma_semaphore, #tpu.memory_space<semaphore_mem>>
      %dma_start3A = arith.constant 0 : i32
      %dma_start3A_13 = tpu.memref_slice %arg5[%arg0, %mul3A_12, %dma_start3A] : memref<2x10240x128xf32, #tpu.memory_space<hbm>> -> memref<1x640x128xf32, #tpu.memory_space<hbm>>
      %dma_start3A_14 = tpu.memref_squeeze %dma_start3A_13 : memref<1x640x128xf32, #tpu.memory_space<hbm>> -> memref<640x128xf32, #tpu.memory_space<hbm>>
      %dma_start3A_15 = arith.constant 0 : i32
      %dma_start3A_16 = tpu.memref_slice %arg8[%mul3A_10, %dma_start3A_15] : memref<10240x128xf32, #tpu.memory_space<vmem_shared>> -> memref<640x128xf32, #tpu.memory_space<vmem_shared>>
      tpu.enqueue_dma source(%dma_start3A_16 : memref<640x128xf32, #tpu.memory_space<vmem_shared>>) target(%dma_start3A_14 : memref<640x128xf32, #tpu.memory_space<hbm>>) target_semaphore(%run_scoped3A : memref<!tpu.dma_semaphore, #tpu.memory_space<semaphore_mem>>)
      %dma_wait3A = arith.constant 0 : i32
      %dma_wait3A_17 = tpu.memref_slice %arg5[%arg0, %mul3A_12, %dma_wait3A] : memref<2x10240x128xf32, #tpu.memory_space<hbm>> -> memref<1x640x128xf32, #tpu.memory_space<hbm>>
      %dma_wait3A_18 = tpu.memref_squeeze %dma_wait3A_17 : memref<1x640x128xf32, #tpu.memory_space<hbm>> -> memref<640x128xf32, #tpu.memory_space<hbm>>
      %dma_wait3A_19 = arith.constant 0 : i32
      %dma_wait3A_20 = tpu.memref_slice %arg8[%mul3A_10, %dma_wait3A_19] : memref<10240x128xf32, #tpu.memory_space<vmem_shared>> -> memref<640x128xf32, #tpu.memory_space<vmem_shared>>
      tpu.wait_dma2 semaphore(%run_scoped3A : memref<!tpu.dma_semaphore, #tpu.memory_space<semaphore_mem>>) src(%dma_wait3A_20 : memref<640x128xf32, #tpu.memory_space<vmem_shared>>) dst(%dma_wait3A_18 : memref<640x128xf32, #tpu.memory_space<hbm>>)
      tpu.yield
    }) : () -> ()
    return
  }
}

#map = affine_map<(d0, d1) -> (0, 0)>
#map1 = affine_map<(d0, d1) -> (0, 0, 0)>
module attributes {stable_mosaic.version = 14 : i64} {
  func.func @agg_kernel(%arg0: i32, %arg1: i32, %arg2: memref<10000x128xf32, #tpu.memory_space<hbm>>, %arg3: memref<32x82x128xi32, #tpu.memory_space<hbm>>, %arg4: memref<32x82x128xi32, #tpu.memory_space<hbm>>, %arg5: memref<640x128xf32, #tpu.memory_space<hbm>>, %arg6: memref<2x10240x128xf32, #tpu.memory_space<hbm>>, %arg7: memref<82x128xi32, #tpu.memory_space<vmem>>, %arg8: memref<82x128xi32, #tpu.memory_space<vmem>>, %arg9: memref<128x128xf32, #tpu.memory_space<vmem>>, %arg10: memref<!tpu.dma_semaphore, #tpu.memory_space<semaphore_mem>>, %arg11: memref<10240x128xf32, #tpu.memory_space<vmem_shared>>) attributes {dimension_semantics = [#tpu.dimension_semantics<core_parallel>, #tpu.dimension_semantics<subcore_parallel>], iteration_bounds = array<i64: 2, 16>, scalar_prefetch = 0 : i64, scratch_operands = 5 : i64, tpu.core_type = #tpu.core_type<sc_vector_subcore>, window_params = [{transform_indices = #map}, {transform_indices = #map1}, {transform_indices = #map1}, {transform_indices = #map}, {transform_indices = #map1}]} {
    %mul3A = arith.constant 16 : i32
    %mul3A_0 = arith.muli %arg0, %mul3A : i32
    %add3A = arith.addi %mul3A_0, %arg1 : i32
    "tpu.region"() ({
      %run_scoped3A = tpu.sem_alloc : memref<!tpu.dma_semaphore, #tpu.memory_space<semaphore_mem>>
      %dma_start3A = arith.constant 0 : i32
      %dma_start3A_13 = arith.constant 0 : i32
      %dma_start3A_14 = tpu.memref_slice %arg3[%add3A, %dma_start3A, %dma_start3A_13] : memref<32x82x128xi32, #tpu.memory_space<hbm>> -> memref<1x82x128xi32, #tpu.memory_space<hbm>>
      %dma_start3A_15 = tpu.memref_squeeze %dma_start3A_14 : memref<1x82x128xi32, #tpu.memory_space<hbm>> -> memref<82x128xi32, #tpu.memory_space<hbm>>
      %dma_start3A_16 = arith.constant 0 : i32
      %dma_start3A_17 = arith.constant 0 : i32
      %dma_start3A_18 = tpu.memref_slice %arg3[%add3A, %dma_start3A_16, %dma_start3A_17] : memref<32x82x128xi32, #tpu.memory_space<hbm>> -> memref<1x82x128xi32, #tpu.memory_space<hbm>>
      %dma_start3A_19 = tpu.memref_squeeze %dma_start3A_18 : memref<1x82x128xi32, #tpu.memory_space<hbm>> -> memref<82x128xi32, #tpu.memory_space<hbm>>
      tpu.enqueue_dma source(%dma_start3A_19 : memref<82x128xi32, #tpu.memory_space<hbm>>) target(%arg7 : memref<82x128xi32, #tpu.memory_space<vmem>>) target_semaphore(%run_scoped3A : memref<!tpu.dma_semaphore, #tpu.memory_space<semaphore_mem>>)
      %dma_wait3A = arith.constant 0 : i32
      %dma_wait3A_20 = arith.constant 0 : i32
      %dma_wait3A_21 = tpu.memref_slice %arg3[%add3A, %dma_wait3A, %dma_wait3A_20] : memref<32x82x128xi32, #tpu.memory_space<hbm>> -> memref<1x82x128xi32, #tpu.memory_space<hbm>>
      %dma_wait3A_22 = tpu.memref_squeeze %dma_wait3A_21 : memref<1x82x128xi32, #tpu.memory_space<hbm>> -> memref<82x128xi32, #tpu.memory_space<hbm>>
      %dma_wait3A_23 = arith.constant 0 : i32
      %dma_wait3A_24 = arith.constant 0 : i32
      %dma_wait3A_25 = tpu.memref_slice %arg3[%add3A, %dma_wait3A_23, %dma_wait3A_24] : memref<32x82x128xi32, #tpu.memory_space<hbm>> -> memref<1x82x128xi32, #tpu.memory_space<hbm>>
      %dma_wait3A_26 = tpu.memref_squeeze %dma_wait3A_25 : memref<1x82x128xi32, #tpu.memory_space<hbm>> -> memref<82x128xi32, #tpu.memory_space<hbm>>
      tpu.wait_dma2 semaphore(%run_scoped3A : memref<!tpu.dma_semaphore, #tpu.memory_space<semaphore_mem>>) src(%dma_wait3A_26 : memref<82x128xi32, #tpu.memory_space<hbm>>) dst(%arg7 : memref<82x128xi32, #tpu.memory_space<vmem>>)
      tpu.yield
    }) : () -> ()
    "tpu.region"() ({
      %run_scoped3A = tpu.sem_alloc : memref<!tpu.dma_semaphore, #tpu.memory_space<semaphore_mem>>
      %dma_start3A = arith.constant 0 : i32
      %dma_start3A_13 = arith.constant 0 : i32
      %dma_start3A_14 = tpu.memref_slice %arg4[%add3A, %dma_start3A, %dma_start3A_13] : memref<32x82x128xi32, #tpu.memory_space<hbm>> -> memref<1x82x128xi32, #tpu.memory_space<hbm>>
      %dma_start3A_15 = tpu.memref_squeeze %dma_start3A_14 : memref<1x82x128xi32, #tpu.memory_space<hbm>> -> memref<82x128xi32, #tpu.memory_space<hbm>>
      %dma_start3A_16 = arith.constant 0 : i32
      %dma_start3A_17 = arith.constant 0 : i32
      %dma_start3A_18 = tpu.memref_slice %arg4[%add3A, %dma_start3A_16, %dma_start3A_17] : memref<32x82x128xi32, #tpu.memory_space<hbm>> -> memref<1x82x128xi32, #tpu.memory_space<hbm>>
      %dma_start3A_19 = tpu.memref_squeeze %dma_start3A_18 : memref<1x82x128xi32, #tpu.memory_space<hbm>> -> memref<82x128xi32, #tpu.memory_space<hbm>>
      tpu.enqueue_dma source(%dma_start3A_19 : memref<82x128xi32, #tpu.memory_space<hbm>>) target(%arg8 : memref<82x128xi32, #tpu.memory_space<vmem>>) target_semaphore(%run_scoped3A : memref<!tpu.dma_semaphore, #tpu.memory_space<semaphore_mem>>)
      %dma_wait3A = arith.constant 0 : i32
      %dma_wait3A_20 = arith.constant 0 : i32
      %dma_wait3A_21 = tpu.memref_slice %arg4[%add3A, %dma_wait3A, %dma_wait3A_20] : memref<32x82x128xi32, #tpu.memory_space<hbm>> -> memref<1x82x128xi32, #tpu.memory_space<hbm>>
      %dma_wait3A_22 = tpu.memref_squeeze %dma_wait3A_21 : memref<1x82x128xi32, #tpu.memory_space<hbm>> -> memref<82x128xi32, #tpu.memory_space<hbm>>
      %dma_wait3A_23 = arith.constant 0 : i32
      %dma_wait3A_24 = arith.constant 0 : i32
      %dma_wait3A_25 = tpu.memref_slice %arg4[%add3A, %dma_wait3A_23, %dma_wait3A_24] : memref<32x82x128xi32, #tpu.memory_space<hbm>> -> memref<1x82x128xi32, #tpu.memory_space<hbm>>
      %dma_wait3A_26 = tpu.memref_squeeze %dma_wait3A_25 : memref<1x82x128xi32, #tpu.memory_space<hbm>> -> memref<82x128xi32, #tpu.memory_space<hbm>>
      tpu.wait_dma2 semaphore(%run_scoped3A : memref<!tpu.dma_semaphore, #tpu.memory_space<semaphore_mem>>) src(%dma_wait3A_26 : memref<82x128xi32, #tpu.memory_space<hbm>>) dst(%arg8 : memref<82x128xi32, #tpu.memory_space<vmem>>)
      tpu.yield
    }) : () -> ()
    %mul3A_1 = arith.constant 640 : i32
    %mul3A_2 = arith.muli %arg1, %mul3A_1 : i32
    "tpu.region"() ({
      %run_scoped3A = tpu.sem_alloc : memref<!tpu.dma_semaphore, #tpu.memory_space<semaphore_mem>>
      %dma_start3A = arith.constant 0 : i32
      %dma_start3A_13 = tpu.memref_slice %arg11[%mul3A_2, %dma_start3A] : memref<10240x128xf32, #tpu.memory_space<vmem_shared>> -> memref<640x128xf32, #tpu.memory_space<vmem_shared>>
      tpu.enqueue_dma source(%arg5 : memref<640x128xf32, #tpu.memory_space<hbm>>) target(%dma_start3A_13 : memref<640x128xf32, #tpu.memory_space<vmem_shared>>) target_semaphore(%run_scoped3A : memref<!tpu.dma_semaphore, #tpu.memory_space<semaphore_mem>>)
      %dma_wait3A = arith.constant 0 : i32
      %dma_wait3A_14 = tpu.memref_slice %arg11[%mul3A_2, %dma_wait3A] : memref<10240x128xf32, #tpu.memory_space<vmem_shared>> -> memref<640x128xf32, #tpu.memory_space<vmem_shared>>
      tpu.wait_dma2 semaphore(%run_scoped3A : memref<!tpu.dma_semaphore, #tpu.memory_space<semaphore_mem>>) src(%arg5 : memref<640x128xf32, #tpu.memory_space<hbm>>) dst(%dma_wait3A_14 : memref<640x128xf32, #tpu.memory_space<vmem_shared>>)
      tpu.yield
    }) : () -> ()
    %barrier3A = arith.constant 0 : index
    tpu.barrier barrier_id(%barrier3A)
    %scan3A = arith.constant 0 : i32
    %scan3A_3 = arith.constant 0 : i32
    %scan3A_4 = arith.constant 82 : i32
    %scan3A_5 = arith.addi %scan3A_3, %scan3A_4 : i32
    %scan3A_6 = arith.constant 1 : i32
    scf.for %scan3A_13 = %scan3A_3 to %scan3A_5 step %scan3A_6  : i32 {
      %dma_start3A = arith.constant 0 : i32
      %dma_start3A_14 = tpu.memref_slice %arg7[%scan3A_13, %dma_start3A] : memref<82x128xi32, #tpu.memory_space<vmem>> -> memref<1x128xi32, #tpu.memory_space<vmem>>
      %dma_start3A_15 = tpu.memref_squeeze %dma_start3A_14 : memref<1x128xi32, #tpu.memory_space<vmem>> -> memref<128xi32, #tpu.memory_space<vmem>>
      %dma_start3A_16 = arith.constant 0 : i32
      %dma_start3A_17 = arith.constant 0 : i32
      %dma_start3A_18 = tpu.memref_slice %arg2[%dma_start3A_16, %dma_start3A_17] : memref<10000x128xf32, #tpu.memory_space<hbm>> -> memref<10000x128xf32, #tpu.memory_space<hbm>>
      tpu.enqueue_indirect_dma source(%dma_start3A_18 : memref<10000x128xf32, #tpu.memory_space<hbm>>) target(%arg9 : memref<128x128xf32, #tpu.memory_space<vmem>>) offsets(%dma_start3A_15 : memref<128xi32, #tpu.memory_space<vmem>>) semaphore(%arg10 : memref<!tpu.dma_semaphore, #tpu.memory_space<semaphore_mem>>)
      %dma_wait3A = arith.constant 0 : i32
      %dma_wait3A_19 = tpu.memref_slice %arg7[%scan3A_13, %dma_wait3A] : memref<82x128xi32, #tpu.memory_space<vmem>> -> memref<1x128xi32, #tpu.memory_space<vmem>>
      %dma_wait3A_20 = tpu.memref_squeeze %dma_wait3A_19 : memref<1x128xi32, #tpu.memory_space<vmem>> -> memref<128xi32, #tpu.memory_space<vmem>>
      %dma_wait3A_21 = arith.constant 0 : i32
      %dma_wait3A_22 = arith.constant 0 : i32
      %dma_wait3A_23 = tpu.memref_slice %arg2[%dma_wait3A_21, %dma_wait3A_22] : memref<10000x128xf32, #tpu.memory_space<hbm>> -> memref<10000x128xf32, #tpu.memory_space<hbm>>
      tpu.wait_indirect_dma semaphore(%arg10 : memref<!tpu.dma_semaphore, #tpu.memory_space<semaphore_mem>>) src(%dma_wait3A_23 : memref<10000x128xf32, #tpu.memory_space<hbm>>) dst(%arg9 : memref<128x128xf32, #tpu.memory_space<vmem>>)
      "tpu.region"() ({
        %run_scoped3A = tpu.sem_alloc : memref<!tpu.dma_semaphore, #tpu.memory_space<semaphore_mem>>
        %dma_start3A_24 = arith.constant 0 : i32
        %dma_start3A_25 = tpu.memref_slice %arg8[%scan3A_13, %dma_start3A_24] : memref<82x128xi32, #tpu.memory_space<vmem>> -> memref<1x128xi32, #tpu.memory_space<vmem>>
        %dma_start3A_26 = tpu.memref_squeeze %dma_start3A_25 : memref<1x128xi32, #tpu.memory_space<vmem>> -> memref<128xi32, #tpu.memory_space<vmem>>
        %dma_start3A_27 = arith.constant 0 : i32
        %dma_start3A_28 = arith.constant 0 : i32
        %dma_start3A_29 = tpu.memref_slice %arg11[%dma_start3A_27, %dma_start3A_28] : memref<10240x128xf32, #tpu.memory_space<vmem_shared>> -> memref<10240x128xf32, #tpu.memory_space<vmem_shared>>
        tpu.enqueue_indirect_dma source(%arg9 : memref<128x128xf32, #tpu.memory_space<vmem>>) target(%dma_start3A_29 : memref<10240x128xf32, #tpu.memory_space<vmem_shared>>) offsets(%dma_start3A_26 : memref<128xi32, #tpu.memory_space<vmem>>) semaphore(%run_scoped3A : memref<!tpu.dma_semaphore, #tpu.memory_space<semaphore_mem>>) {add = true}
        %dma_wait3A_30 = arith.constant 0 : i32
        %dma_wait3A_31 = tpu.memref_slice %arg8[%scan3A_13, %dma_wait3A_30] : memref<82x128xi32, #tpu.memory_space<vmem>> -> memref<1x128xi32, #tpu.memory_space<vmem>>
        %dma_wait3A_32 = tpu.memref_squeeze %dma_wait3A_31 : memref<1x128xi32, #tpu.memory_space<vmem>> -> memref<128xi32, #tpu.memory_space<vmem>>
        %dma_wait3A_33 = arith.constant 0 : i32
        %dma_wait3A_34 = arith.constant 0 : i32
        %dma_wait3A_35 = tpu.memref_slice %arg11[%dma_wait3A_33, %dma_wait3A_34] : memref<10240x128xf32, #tpu.memory_space<vmem_shared>> -> memref<10240x128xf32, #tpu.memory_space<vmem_shared>>
        tpu.wait_indirect_dma semaphore(%run_scoped3A : memref<!tpu.dma_semaphore, #tpu.memory_space<semaphore_mem>>) src(%arg9 : memref<128x128xf32, #tpu.memory_space<vmem>>) dst(%dma_wait3A_35 : memref<10240x128xf32, #tpu.memory_space<vmem_shared>>)
        tpu.yield
      }) : () -> ()
    }
    %scan3A_7 = arith.constant 82 : i32
    %barrier3A_8 = arith.constant 0 : index
    tpu.barrier barrier_id(%barrier3A_8)
    %mul3A_9 = arith.constant 640 : i32
    %mul3A_10 = arith.muli %arg1, %mul3A_9 : i32
    %mul3A_11 = arith.constant 640 : i32
    %mul3A_12 = arith.muli %arg1, %mul3A_11 : i32
    "tpu.region"() ({
      %run_scoped3A = tpu.sem_alloc : memref<!tpu.dma_semaphore, #tpu.memory_space<semaphore_mem>>
      %dma_start3A = arith.constant 0 : i32
      %dma_start3A_13 = tpu.memref_slice %arg6[%arg0, %mul3A_12, %dma_start3A] : memref<2x10240x128xf32, #tpu.memory_space<hbm>> -> memref<1x640x128xf32, #tpu.memory_space<hbm>>
      %dma_start3A_14 = tpu.memref_squeeze %dma_start3A_13 : memref<1x640x128xf32, #tpu.memory_space<hbm>> -> memref<640x128xf32, #tpu.memory_space<hbm>>
      %dma_start3A_15 = arith.constant 0 : i32
      %dma_start3A_16 = tpu.memref_slice %arg11[%mul3A_10, %dma_start3A_15] : memref<10240x128xf32, #tpu.memory_space<vmem_shared>> -> memref<640x128xf32, #tpu.memory_space<vmem_shared>>
      tpu.enqueue_dma source(%dma_start3A_16 : memref<640x128xf32, #tpu.memory_space<vmem_shared>>) target(%dma_start3A_14 : memref<640x128xf32, #tpu.memory_space<hbm>>) target_semaphore(%run_scoped3A : memref<!tpu.dma_semaphore, #tpu.memory_space<semaphore_mem>>)
      %dma_wait3A = arith.constant 0 : i32
      %dma_wait3A_17 = tpu.memref_slice %arg6[%arg0, %mul3A_12, %dma_wait3A] : memref<2x10240x128xf32, #tpu.memory_space<hbm>> -> memref<1x640x128xf32, #tpu.memory_space<hbm>>
      %dma_wait3A_18 = tpu.memref_squeeze %dma_wait3A_17 : memref<1x640x128xf32, #tpu.memory_space<hbm>> -> memref<640x128xf32, #tpu.memory_space<hbm>>
      %dma_wait3A_19 = arith.constant 0 : i32
      %dma_wait3A_20 = tpu.memref_slice %arg11[%mul3A_10, %dma_wait3A_19] : memref<10240x128xf32, #tpu.memory_space<vmem_shared>> -> memref<640x128xf32, #tpu.memory_space<vmem_shared>>
      tpu.wait_dma2 semaphore(%run_scoped3A : memref<!tpu.dma_semaphore, #tpu.memory_space<semaphore_mem>>) src(%dma_wait3A_20 : memref<640x128xf32, #tpu.memory_space<vmem_shared>>) dst(%dma_wait3A_18 : memref<640x128xf32, #tpu.memory_space<hbm>>)
      tpu.yield
    }) : () -> ()
    return
  }
}

module attributes {stable_mosaic.version = 14 : i64} {
  func.func @_scale_body(%arg0: i32, %arg1: memref<2000x128xf32, #tpu.memory_space<vmem>>, %arg2: memref<2x2000x16xf32, #tpu.memory_space<vmem>>, %arg3: memref<2000x128xf32, #tpu.memory_space<vmem>>) attributes {dimension_semantics = [#tpu.dimension_semantics<arbitrary>], iteration_bounds = array<i64: 5>, scalar_prefetch = 0 : i64, scratch_operands = 0 : i64, tpu.core_type = #tpu.core_type<tc>, window_params = [{transform_indices = @transform_0, window_bounds = array<i64: 2000, 128>}, {transform_indices = @transform_1, window_bounds = array<i64: 2, 2000, 16>}, {transform_indices = @transform_2, window_bounds = array<i64: 2000, 128>}]} {
    %get3A = arith.constant 0 : index
    %get3A_0 = arith.constant 0 : index
    %get3A_1 = arith.constant 0 : index
    %get3A_2 = vector.load %arg2[%get3A, %get3A_0, %get3A_1] : memref<2x2000x16xf32, #tpu.memory_space<vmem>>, vector<1x2000x1xf32>
    %get3A_3 = vector.shape_cast %get3A_2 : vector<1x2000x1xf32> to vector<2000x1xf32>
    %get3A_4 = arith.constant 1 : index
    %get3A_5 = arith.constant 0 : index
    %get3A_6 = arith.constant 0 : index
    %get3A_7 = vector.load %arg2[%get3A_4, %get3A_5, %get3A_6] : memref<2x2000x16xf32, #tpu.memory_space<vmem>>, vector<1x2000x1xf32>
    %get3A_8 = vector.shape_cast %get3A_7 : vector<1x2000x1xf32> to vector<2000x1xf32>
    %add3A = arith.addf %get3A_3, %get3A_8 : vector<2000x1xf32>
    %add3A_9 = arith.constant 1.000000e+00 : f32
    %add3A_10 = vector.broadcast %add3A_9 : f32 to vector<2000x1xf32>
    %add3A_11 = arith.addf %add3A, %add3A_10 : vector<2000x1xf32>
    %get3A_12 = arith.constant 0 : index
    %get3A_13 = arith.constant 0 : index
    %get3A_14 = vector.load %arg1[%get3A_12, %get3A_13] : memref<2000x128xf32, #tpu.memory_space<vmem>>, vector<2000x128xf32>
    %rsqrt3A = math.rsqrt %add3A_11 : vector<2000x1xf32>
    %mul3A = vector.broadcast %rsqrt3A : vector<2000x1xf32> to vector<2000x128xf32>
    %mul3A_15 = arith.mulf %get3A_14, %mul3A : vector<2000x128xf32>
    %swap3A = arith.constant 0 : index
    %swap3A_16 = arith.constant 0 : index
    %swap3A_17 = vector.load %arg3[%swap3A, %swap3A_16] : memref<2000x128xf32, #tpu.memory_space<vmem>>, vector<2000x128xf32>
    tpu.vector_store %arg3[%swap3A, %swap3A_16], %mul3A_15 {strides = array<i32>} : memref<2000x128xf32, #tpu.memory_space<vmem>>, vector<2000x128xf32>,
    return
  }
  func.func @transform_0(%arg0: i32) -> (i32, i32) {
    %c0_i32 = arith.constant 0 : i32
    %c0_i32_0 = arith.constant 0 : i32
    return %arg0, %c0_i32 : i32, i32
  }
  func.func @transform_1(%arg0: i32) -> (i32, i32, i32) {
    %c0_i32 = arith.constant 0 : i32
    %c0_i32_0 = arith.constant 0 : i32
    %c0_i32_1 = arith.constant 0 : i32
    return %c0_i32, %arg0, %c0_i32_0 : i32, i32, i32
  }
  func.func @transform_2(%arg0: i32) -> (i32, i32) {
    %c0_i32 = arith.constant 0 : i32
    %c0_i32_0 = arith.constant 0 : i32
    return %arg0, %c0_i32 : i32, i32
  }
}

module attributes {stable_mosaic.version = 14 : i64} {
  func.func @_dense_body(%arg0: i32, %arg1: memref<2000x128xf32, #tpu.memory_space<vmem>>, %arg2: memref<2000x128xf32, #tpu.memory_space<vmem>>, %arg3: memref<2x2000x128xf32, #tpu.memory_space<vmem>>, %arg4: memref<2x2000x16xf32, #tpu.memory_space<vmem>>, %arg5: memref<4x128x128xf32, #tpu.memory_space<vmem>>, %arg6: memref<4x128xf32, #tpu.memory_space<vmem>>, %arg7: memref<128x128xf32, #tpu.memory_space<vmem>>, %arg8: memref<1x128xf32, #tpu.memory_space<vmem>>, %arg9: memref<2000x128xf32, #tpu.memory_space<vmem>>) attributes {dimension_semantics = [#tpu.dimension_semantics<arbitrary>], iteration_bounds = array<i64: 5>, scalar_prefetch = 0 : i64, scratch_operands = 0 : i64, tpu.core_type = #tpu.core_type<tc>, window_params = [{transform_indices = @transform_0, window_bounds = array<i64: 2000, 128>}, {transform_indices = @transform_1, window_bounds = array<i64: 2000, 128>}, {transform_indices = @transform_2, window_bounds = array<i64: 2, 2000, 128>}, {transform_indices = @transform_3, window_bounds = array<i64: 2, 2000, 16>}, {pipeline_mode = #tpu.pipeline_mode<synchronous>, transform_indices = @transform_4, window_bounds = array<i64: 4, 128, 128>}, {pipeline_mode = #tpu.pipeline_mode<synchronous>, transform_indices = @transform_5, window_bounds = array<i64: 4, 128>}, {pipeline_mode = #tpu.pipeline_mode<synchronous>, transform_indices = @transform_6, window_bounds = array<i64: 128, 128>}, {pipeline_mode = #tpu.pipeline_mode<synchronous>, transform_indices = @transform_7, window_bounds = array<i64: 1, 128>}, {transform_indices = @transform_8, window_bounds = array<i64: 2000, 128>}]} {
    %get3A = arith.constant 0 : index
    %get3A_0 = arith.constant 0 : index
    %get3A_1 = vector.load %arg1[%get3A, %get3A_0] : memref<2000x128xf32, #tpu.memory_space<vmem>>, vector<2000x128xf32>
    %get3A_2 = arith.constant 0 : index
    %get3A_3 = arith.constant 0 : index
    %get3A_4 = arith.constant 0 : index
    %get3A_5 = vector.load %arg4[%get3A_2, %get3A_3, %get3A_4] : memref<2x2000x16xf32, #tpu.memory_space<vmem>>, vector<1x2000x1xf32>
    %get3A_6 = vector.shape_cast %get3A_5 : vector<1x2000x1xf32> to vector<2000x1xf32>
    %get3A_7 = arith.constant 1 : index
    %get3A_8 = arith.constant 0 : index
    %get3A_9 = arith.constant 0 : index
    %get3A_10 = vector.load %arg4[%get3A_7, %get3A_8, %get3A_9] : memref<2x2000x16xf32, #tpu.memory_space<vmem>>, vector<1x2000x1xf32>
    %get3A_11 = vector.shape_cast %get3A_10 : vector<1x2000x1xf32> to vector<2000x1xf32>
    %add3A = arith.addf %get3A_6, %get3A_11 : vector<2000x1xf32>
    %add3A_12 = arith.constant 1.000000e+00 : f32
    %add3A_13 = vector.broadcast %add3A_12 : f32 to vector<2000x1xf32>
    %add3A_14 = arith.addf %add3A, %add3A_13 : vector<2000x1xf32>
    %rsqrt3A = math.rsqrt %add3A_14 : vector<2000x1xf32>
    %get3A_15 = arith.constant 0 : index
    %get3A_16 = arith.constant 0 : index
    %get3A_17 = arith.constant 0 : index
    %get3A_18 = vector.load %arg3[%get3A_15, %get3A_16, %get3A_17] : memref<2x2000x128xf32, #tpu.memory_space<vmem>>, vector<1x2000x128xf32>
    %get3A_19 = vector.shape_cast %get3A_18 : vector<1x2000x128xf32> to vector<2000x128xf32>
    %get3A_20 = arith.constant 1 : index
    %get3A_21 = arith.constant 0 : index
    %get3A_22 = arith.constant 0 : index
    %get3A_23 = vector.load %arg3[%get3A_20, %get3A_21, %get3A_22] : memref<2x2000x128xf32, #tpu.memory_space<vmem>>, vector<1x2000x128xf32>
    %get3A_24 = vector.shape_cast %get3A_23 : vector<1x2000x128xf32> to vector<2000x128xf32>
    %add3A_25 = arith.addf %get3A_19, %get3A_24 : vector<2000x128xf32>
    %get3A_26 = arith.constant 0 : index
    %get3A_27 = arith.constant 0 : index
    %get3A_28 = vector.load %arg2[%get3A_26, %get3A_27] : memref<2000x128xf32, #tpu.memory_space<vmem>>, vector<2000x128xf32>
    %add3A_29 = arith.addf %add3A_25, %get3A_28 : vector<2000x128xf32>
    %mul3A = vector.broadcast %rsqrt3A : vector<2000x1xf32> to vector<2000x128xf32>
    %mul3A_30 = arith.mulf %add3A_29, %mul3A : vector<2000x128xf32>
    %get3A_31 = arith.constant 0 : index
    %get3A_32 = arith.constant 0 : index
    %get3A_33 = vector.load %arg7[%get3A_31, %get3A_32] : memref<128x128xf32, #tpu.memory_space<vmem>>, vector<128x128xf32>
    %dot_general3A = arith.constant dense<0.000000e+00> : vector<2000x128xf32>
    %dot_general3A_34 = tpu.matmul %get3A_1, %get3A_33, %dot_general3A {dimension_numbers = #tpu.dot_dimension_numbers<[1], [0], [0], [1], [0, 0, 1, 1], [], []>, transpose_lhs_hint = false} : vector<2000x128xf32>, vector<128x128xf32>, vector<2000x128xf32> -> vector<2000x128xf32>
    %get3A_35 = arith.constant 0 : index
    %get3A_36 = arith.constant 0 : index
    %get3A_37 = vector.load %arg8[%get3A_35, %get3A_36] : memref<1x128xf32, #tpu.memory_space<vmem>>, vector<1x128xf32>
    %add3A_38 = vector.broadcast %get3A_37 : vector<1x128xf32> to vector<2000x128xf32>
    %add3A_39 = arith.addf %dot_general3A_34, %add3A_38 : vector<2000x128xf32>
    %iota3A = tpu.iota {dimensions = array<i32: 1>} : vector<2000x128xi32>
    %lt3A = arith.constant 4 : i32
    %lt3A_40 = vector.broadcast %lt3A : i32 to vector<2000x128xi32>
    %lt3A_41 = arith.cmpi slt, %iota3A, %lt3A_40 : vector<2000x128xi32>
    %jit3A = arith.constant -1.000000e+30 : f32
    %broadcast_in_dim3A = vector.broadcast %jit3A : f32 to vector<2000x128xf32>
    %select_n3A = arith.select %lt3A_41, %add3A_39, %broadcast_in_dim3A : vector<2000x128xi1>, vector<2000x128xf32>
    %reduce_max3A = arith.constant dense<0xFF800000> : vector<2000xf32>
    %reduce_max3A_42 = vector.multi_reduction <maximumf>, %select_n3A, %reduce_max3A [1] : vector<2000x128xf32> to vector<2000xf32>
    %broadcast_in_dim3A_43 = vector.shape_cast %reduce_max3A_42 : vector<2000xf32> to vector<2000x1xf32>
    %sub3A = vector.broadcast %broadcast_in_dim3A_43 : vector<2000x1xf32> to vector<2000x128xf32>
    %sub3A_44 = arith.subf %select_n3A, %sub3A : vector<2000x128xf32>
    %exp3A = math.exp %sub3A_44 : vector<2000x128xf32>
    %jit3A_45 = arith.constant 0.000000e+00 : f32
    %broadcast_in_dim3A_46 = vector.broadcast %jit3A_45 : f32 to vector<2000x128xf32>
    %select_n3A_47 = arith.select %lt3A_41, %exp3A, %broadcast_in_dim3A_46 : vector<2000x128xi1>, vector<2000x128xf32>
    %reduce_sum3A = arith.constant dense<0.000000e+00> : vector<2000xf32>
    %reduce_sum3A_48 = vector.multi_reduction <add>, %select_n3A_47, %reduce_sum3A [1] : vector<2000x128xf32> to vector<2000xf32>
    %broadcast_in_dim3A_49 = vector.shape_cast %reduce_sum3A_48 : vector<2000xf32> to vector<2000x1xf32>
    %div3A = vector.broadcast %broadcast_in_dim3A_49 : vector<2000x1xf32> to vector<2000x128xf32>
    %div3A_50 = arith.divf %select_n3A_47, %div3A : vector<2000x128xf32>
    %broadcast_in_dim3A_51 = arith.constant 0.000000e+00 : f32
    %broadcast_in_dim3A_52 = vector.broadcast %broadcast_in_dim3A_51 : f32 to vector<2000x128xf32>
    %get3A_53 = arith.constant 0 : index
    %get3A_54 = arith.constant 0 : index
    %get3A_55 = arith.constant 0 : index
    %get3A_56 = vector.load %arg5[%get3A_53, %get3A_54, %get3A_55] : memref<4x128x128xf32, #tpu.memory_space<vmem>>, vector<1x128x128xf32>
    %get3A_57 = vector.shape_cast %get3A_56 : vector<1x128x128xf32> to vector<128x128xf32>
    %dot_general3A_58 = arith.constant dense<0.000000e+00> : vector<2000x128xf32>
    %dot_general3A_59 = tpu.matmul %mul3A_30, %get3A_57, %dot_general3A_58 {dimension_numbers = #tpu.dot_dimension_numbers<[1], [0], [0], [1], [0, 0, 1, 1], [], []>, transpose_lhs_hint = false} : vector<2000x128xf32>, vector<128x128xf32>, vector<2000x128xf32> -> vector<2000x128xf32>
    %get3A_60 = arith.constant 0 : index
    %get3A_61 = arith.constant 0 : index
    %get3A_62 = vector.load %arg6[%get3A_60, %get3A_61] : memref<4x128xf32, #tpu.memory_space<vmem>>, vector<1x128xf32>
    %get3A_63 = vector.shape_cast %get3A_62 : vector<1x128xf32> to vector<128xf32>
    %broadcast_in_dim3A_64 = vector.shape_cast %get3A_63 : vector<128xf32> to vector<1x128xf32>
    %add3A_65 = vector.broadcast %broadcast_in_dim3A_64 : vector<1x128xf32> to vector<2000x128xf32>
    %add3A_66 = arith.addf %dot_general3A_59, %add3A_65 : vector<2000x128xf32>
    %max3A = arith.constant 0.000000e+00 : f32
    %max3A_67 = vector.broadcast %max3A : f32 to vector<2000x128xf32>
    %max3A_68 = arith.maximumf %add3A_66, %max3A_67 : vector<2000x128xf32>
    %slice3A = vector.extract_strided_slice %div3A_50 {offsets = [0, 0], sizes = [2000, 1], strides = [1, 1]} : vector<2000x128xf32> to vector<2000x1xf32>
    %mul3A_69 = vector.broadcast %slice3A : vector<2000x1xf32> to vector<2000x128xf32>
    %mul3A_70 = arith.mulf %max3A_68, %mul3A_69 : vector<2000x128xf32>
    %add3A_71 = arith.addf %broadcast_in_dim3A_52, %mul3A_70 : vector<2000x128xf32>
    %get3A_72 = arith.constant 1 : index
    %get3A_73 = arith.constant 0 : index
    %get3A_74 = arith.constant 0 : index
    %get3A_75 = vector.load %arg5[%get3A_72, %get3A_73, %get3A_74] : memref<4x128x128xf32, #tpu.memory_space<vmem>>, vector<1x128x128xf32>
    %get3A_76 = vector.shape_cast %get3A_75 : vector<1x128x128xf32> to vector<128x128xf32>
    %dot_general3A_77 = arith.constant dense<0.000000e+00> : vector<2000x128xf32>
    %dot_general3A_78 = tpu.matmul %mul3A_30, %get3A_76, %dot_general3A_77 {dimension_numbers = #tpu.dot_dimension_numbers<[1], [0], [0], [1], [0, 0, 1, 1], [], []>, transpose_lhs_hint = false} : vector<2000x128xf32>, vector<128x128xf32>, vector<2000x128xf32> -> vector<2000x128xf32>
    %get3A_79 = arith.constant 1 : index
    %get3A_80 = arith.constant 0 : index
    %get3A_81 = vector.load %arg6[%get3A_79, %get3A_80] : memref<4x128xf32, #tpu.memory_space<vmem>>, vector<1x128xf32>
    %get3A_82 = vector.shape_cast %get3A_81 : vector<1x128xf32> to vector<128xf32>
    %broadcast_in_dim3A_83 = vector.shape_cast %get3A_82 : vector<128xf32> to vector<1x128xf32>
    %add3A_84 = vector.broadcast %broadcast_in_dim3A_83 : vector<1x128xf32> to vector<2000x128xf32>
    %add3A_85 = arith.addf %dot_general3A_78, %add3A_84 : vector<2000x128xf32>
    %max3A_86 = arith.constant 0.000000e+00 : f32
    %max3A_87 = vector.broadcast %max3A_86 : f32 to vector<2000x128xf32>
    %max3A_88 = arith.maximumf %add3A_85, %max3A_87 : vector<2000x128xf32>
    %slice3A_89 = vector.extract_strided_slice %div3A_50 {offsets = [0, 1], sizes = [2000, 1], strides = [1, 1]} : vector<2000x128xf32> to vector<2000x1xf32>
    %mul3A_90 = vector.broadcast %slice3A_89 : vector<2000x1xf32> to vector<2000x128xf32>
    %mul3A_91 = arith.mulf %max3A_88, %mul3A_90 : vector<2000x128xf32>
    %add3A_92 = arith.addf %add3A_71, %mul3A_91 : vector<2000x128xf32>
    %get3A_93 = arith.constant 2 : index
    %get3A_94 = arith.constant 0 : index
    %get3A_95 = arith.constant 0 : index
    %get3A_96 = vector.load %arg5[%get3A_93, %get3A_94, %get3A_95] : memref<4x128x128xf32, #tpu.memory_space<vmem>>, vector<1x128x128xf32>
    %get3A_97 = vector.shape_cast %get3A_96 : vector<1x128x128xf32> to vector<128x128xf32>
    %dot_general3A_98 = arith.constant dense<0.000000e+00> : vector<2000x128xf32>
    %dot_general3A_99 = tpu.matmul %mul3A_30, %get3A_97, %dot_general3A_98 {dimension_numbers = #tpu.dot_dimension_numbers<[1], [0], [0], [1], [0, 0, 1, 1], [], []>, transpose_lhs_hint = false} : vector<2000x128xf32>, vector<128x128xf32>, vector<2000x128xf32> -> vector<2000x128xf32>
    %get3A_100 = arith.constant 2 : index
    %get3A_101 = arith.constant 0 : index
    %get3A_102 = vector.load %arg6[%get3A_100, %get3A_101] : memref<4x128xf32, #tpu.memory_space<vmem>>, vector<1x128xf32>
    %get3A_103 = vector.shape_cast %get3A_102 : vector<1x128xf32> to vector<128xf32>
    %broadcast_in_dim3A_104 = vector.shape_cast %get3A_103 : vector<128xf32> to vector<1x128xf32>
    %add3A_105 = vector.broadcast %broadcast_in_dim3A_104 : vector<1x128xf32> to vector<2000x128xf32>
    %add3A_106 = arith.addf %dot_general3A_99, %add3A_105 : vector<2000x128xf32>
    %max3A_107 = arith.constant 0.000000e+00 : f32
    %max3A_108 = vector.broadcast %max3A_107 : f32 to vector<2000x128xf32>
    %max3A_109 = arith.maximumf %add3A_106, %max3A_108 : vector<2000x128xf32>
    %slice3A_110 = vector.extract_strided_slice %div3A_50 {offsets = [0, 2], sizes = [2000, 1], strides = [1, 1]} : vector<2000x128xf32> to vector<2000x1xf32>
    %mul3A_111 = vector.broadcast %slice3A_110 : vector<2000x1xf32> to vector<2000x128xf32>
    %mul3A_112 = arith.mulf %max3A_109, %mul3A_111 : vector<2000x128xf32>
    %add3A_113 = arith.addf %add3A_92, %mul3A_112 : vector<2000x128xf32>
    %get3A_114 = arith.constant 3 : index
    %get3A_115 = arith.constant 0 : index
    %get3A_116 = arith.constant 0 : index
    %get3A_117 = vector.load %arg5[%get3A_114, %get3A_115, %get3A_116] : memref<4x128x128xf32, #tpu.memory_space<vmem>>, vector<1x128x128xf32>
    %get3A_118 = vector.shape_cast %get3A_117 : vector<1x128x128xf32> to vector<128x128xf32>
    %dot_general3A_119 = arith.constant dense<0.000000e+00> : vector<2000x128xf32>
    %dot_general3A_120 = tpu.matmul %mul3A_30, %get3A_118, %dot_general3A_119 {dimension_numbers = #tpu.dot_dimension_numbers<[1], [0], [0], [1], [0, 0, 1, 1], [], []>, transpose_lhs_hint = false} : vector<2000x128xf32>, vector<128x128xf32>, vector<2000x128xf32> -> vector<2000x128xf32>
    %get3A_121 = arith.constant 3 : index
    %get3A_122 = arith.constant 0 : index
    %get3A_123 = vector.load %arg6[%get3A_121, %get3A_122] : memref<4x128xf32, #tpu.memory_space<vmem>>, vector<1x128xf32>
    %get3A_124 = vector.shape_cast %get3A_123 : vector<1x128xf32> to vector<128xf32>
    %broadcast_in_dim3A_125 = vector.shape_cast %get3A_124 : vector<128xf32> to vector<1x128xf32>
    %add3A_126 = vector.broadcast %broadcast_in_dim3A_125 : vector<1x128xf32> to vector<2000x128xf32>
    %add3A_127 = arith.addf %dot_general3A_120, %add3A_126 : vector<2000x128xf32>
    %max3A_128 = arith.constant 0.000000e+00 : f32
    %max3A_129 = vector.broadcast %max3A_128 : f32 to vector<2000x128xf32>
    %max3A_130 = arith.maximumf %add3A_127, %max3A_129 : vector<2000x128xf32>
    %slice3A_131 = vector.extract_strided_slice %div3A_50 {offsets = [0, 3], sizes = [2000, 1], strides = [1, 1]} : vector<2000x128xf32> to vector<2000x1xf32>
    %mul3A_132 = vector.broadcast %slice3A_131 : vector<2000x1xf32> to vector<2000x128xf32>
    %mul3A_133 = arith.mulf %max3A_130, %mul3A_132 : vector<2000x128xf32>
    %add3A_134 = arith.addf %add3A_113, %mul3A_133 : vector<2000x128xf32>
    %swap3A = arith.constant 0 : index
    %swap3A_135 = arith.constant 0 : index
    %swap3A_136 = vector.load %arg9[%swap3A, %swap3A_135] : memref<2000x128xf32, #tpu.memory_space<vmem>>, vector<2000x128xf32>
    tpu.vector_store %arg9[%swap3A, %swap3A_135], %add3A_134 {strides = array<i32>} : memref<2000x128xf32, #tpu.memory_space<vmem>>, vector<2000x128xf32>,
    return
  }
  func.func @transform_0(%arg0: i32) -> (i32, i32) {
    %c0_i32 = arith.constant 0 : i32
    %c0_i32_0 = arith.constant 0 : i32
    return %arg0, %c0_i32 : i32, i32
  }
  func.func @transform_1(%arg0: i32) -> (i32, i32) {
    %c0_i32 = arith.constant 0 : i32
    %c0_i32_0 = arith.constant 0 : i32
    return %arg0, %c0_i32 : i32, i32
  }
  func.func @transform_2(%arg0: i32) -> (i32, i32, i32) {
    %c0_i32 = arith.constant 0 : i32
    %c0_i32_0 = arith.constant 0 : i32
    %c0_i32_1 = arith.constant 0 : i32
    return %c0_i32, %arg0, %c0_i32_0 : i32, i32, i32
  }
  func.func @transform_3(%arg0: i32) -> (i32, i32, i32) {
    %c0_i32 = arith.constant 0 : i32
    %c0_i32_0 = arith.constant 0 : i32
    %c0_i32_1 = arith.constant 0 : i32
    return %c0_i32, %arg0, %c0_i32_0 : i32, i32, i32
  }
  func.func @transform_4(%arg0: i32) -> (i32, i32, i32) {
    %c0_i32 = arith.constant 0 : i32
    %c0_i32_0 = arith.constant 0 : i32
    %c0_i32_1 = arith.constant 0 : i32
    %c0_i32_2 = arith.constant 0 : i32
    return %c0_i32, %c0_i32_0, %c0_i32_1 : i32, i32, i32
  }
  func.func @transform_5(%arg0: i32) -> (i32, i32) {
    %c0_i32 = arith.constant 0 : i32
    %c0_i32_0 = arith.constant 0 : i32
    %c0_i32_1 = arith.constant 0 : i32
    return %c0_i32, %c0_i32_0 : i32, i32
  }
  func.func @transform_6(%arg0: i32) -> (i32, i32) {
    %c0_i32 = arith.constant 0 : i32
    %c0_i32_0 = arith.constant 0 : i32
    %c0_i32_1 = arith.constant 0 : i32
    return %c0_i32, %c0_i32_0 : i32, i32
  }
  func.func @transform_7(%arg0: i32) -> (i32, i32) {
    %c0_i32 = arith.constant 0 : i32
    %c0_i32_0 = arith.constant 0 : i32
    %c0_i32_1 = arith.constant 0 : i32
    return %c0_i32, %c0_i32_0 : i32, i32
  }
  func.func @transform_8(%arg0: i32) -> (i32, i32) {
    %c0_i32 = arith.constant 0 : i32
    %c0_i32_0 = arith.constant 0 : i32
    return %arg0, %c0_i32 : i32, i32
  }
}

</mosaic_0001>

<sc_bundles>
// kernel: kernel.6.cloned.1.call-start
scs
__scs_entry_jumppad:
0x0: {  	(pc) =	sbr.rel $0x88, $3  }
0x1: {  	(tag) =	ssettag $0x0;
	lr =	simm.s32 $0x1  }
0x2: {  	[smem:$0x3F9B] =	sst lr;
	_ =	strace $0xD0000000  }
0x3: {  	_ = 	snop  }
0x4: {  	_ = 	snop  }
0x5: {  	_ = 	snop  }
0x6: {  	_ = 	snop  }
0x7: {  	_ = 	snop  }
__scs_overlays_trampoline_lowered:
0x8: {  	[smem:$0x3FAA] =	sst s0  }
0x9: {  	[smem:$0x3FAB] =	sst s1  }
0xa: {  	[smem:$0x3FAC] =	sst s2  }
0xb: {  	[smem:$0x3FAD] =	sst s3  }
0xc: {  	[smem:$0x3FAE] =	sst s4  }
0xd: {  	[smem:$0x3FAF] =	sst s5  }
0xe: {  	[smem:$0x3FB0] =	sst s6  }
0xf: {  	[smem:$0x3FB1] =	sst s7  }
0x10: {  	[smem:$0x3FB2] =	sst s8  }
0x11: {  	[smem:$0x3FB3] =	sst s9;
	s0 =	simm.s32 @!p0 $0x0  }
0x12: {  	s1 =	sld [smem:$0x3F99];
	s0 =	simm.s32 @p0 $0x1  }
0x13: {  	[smem:$0x3FB4] =	sst s0;
	s0 =	simm.s32 @!p1 $0x0  }
0x14: {  	s2 =	sld [smem:$0x3F98];
	s0 =	simm.s32 @p1 $0x1  }
0x15: {  	[smem:$0x3FB5] =	sst s0;
	s0 =	simm.s32 @!p2 $0x0  }
0x16: {  	s3 =	sld [smem:$0x3FDB];
	s0 =	simm.s32 @p2 $0x1  }
0x17: {  	s4 =	simm.s32 $0x1BF5;
	[smem:$0x3FB7] =	sst s0  }
0x18: {  	s0 =	sld [smem:$0x3F9A];
	_ =	swait.ge [sflag:s4], $0x0  }
0x19: {  	s7 =	sld [smem:$0x3F9B]  }
0x1a: {  	s8 =	sadd.s32 $0xFFFFE003, lr  }
0x1b: {  	s9 =	sadd.s32 $0xFFFFFEF7, lr;
	s5 =	simm.s32 $0xFFFFFFFF;
	p2 =	slt.u32 s8, $0xFFFFF086  }
0x1c: {  	p1 =	slt.u32 s9, $0xF7A;
	s5 =	simm.s32 @!p2 $0x0  }
0x1d: {  	s5 =	simm.s32 @p1 $0x1;
	p0 =	seq.s32 s7, s2  }
0x1e: {  	s7 =	smul.u32 @!p0 $0xF7A, s2;
	p2 =	seq.s32 @!p0 s5, $0x0  }
0x1f: {  	s9 =	smul.u32 $0xF7A, s1;
	s8 =	simm.s32 @!p0 $0x1BF5;
	p2 =	por !p2, p0  }
0x20: {  	[sflag:s8] =	ssyncset.s32 @!p0 $0xFFFFF086;
	s6 =	sadd.s32 @!p0 s3, s7;
	s7 =	simm.s32 @!p0 $0x108  }
0x21: {  	s3 =	sadd.s32 s3, s9;
	s6 =	sadd.s32 @!p0 $0x88, s6;
	s7 =	simm.s32 @p2 $0x1082  }
0x22: {  	[simem:s7], [sflag:s8] =	dma.local @!p0 [hbm:s6], $0xF7A  }
0x23: {  	s9 =	sor.u32 $0xD0000000, s2;
	s6 =	simm.s32 $0x108;
	_ =	swait.ge @!p0 [sflag:s8], $0x0  }
0x24: {  	s3 =	sadd.s32 $0x88, s3;
	s6 =	simm.s32 @!p1 $0x1082;
	[sflag:s4] =	ssyncset.s32 $0xFFFFF086  }
0x25: {  	[simem:s6], [sflag:s4] =	dma.local [hbm:s3], $0xF7A  }
0x26: {  	[smem:$0x3F9B] =	sst s1;
	(tag) =	ssettag s2;
	_ =	strace s9  }
0x27: {  	s1 =	sld [smem:$0x3FAB]  }
0x28: {  	s2 =	sld [smem:$0x3FAC]  }
0x29: {  	s4 =	sld [smem:$0x3FAE]  }
0x2a: {  	p0 =	seq.s32 s5, $0x0;
	s5 =	sld [smem:$0x3FAF]  }
0x2b: {  	s6 =	sld [smem:$0x3FB0]  }
0x2c: {  	s7 =	sld [smem:$0x3FB1]  }
0x2d: {  	s3 =	simm.s32 $0x108;
	s8 =	sld [smem:$0x3FB2]  }
0x2e: {  	s3 =	simm.s32 @!p0 $0x1082;
	s9 =	sld [smem:$0x3FB3]  }
0x2f: {  	lr =	sadd.s32 s0, s3;
	s0 =	sld [smem:$0x3FAA]  }
0x30: {  	s3 =	sld [smem:$0x3FAD]  }
0x31: {  	[smem:$0x3FB6] =	sst s10  }
0x32: {  	s10 =	sld [smem:$0x3FB4];
	_ =	sdelay $0x3  }
0x33: {  	p0 =	seq.s32 s10, $0x1;
	s10 =	sld [smem:$0x3FB6];
	_ =	sdelay $0x3  }
0x34: {  	[smem:$0x3FB6] =	sst s10  }
0x35: {  	s10 =	sld [smem:$0x3FB5];
	_ =	sdelay $0x3  }
0x36: {  	p1 =	seq.s32 s10, $0x1;
	s10 =	sld [smem:$0x3FB6];
	_ =	sdelay $0x3  }
0x37: {  	[smem:$0x3FB6] =	sst s10  }
0x38: {  	s10 =	sld [smem:$0x3FB7]  }
0x39: {  	_ = 	snop;
	(pc) =	sbr.ind lr, $3  }
0x3a: {  	_ = 	snop  }
0x3b: {  	_ = 	snop  }
0x3c: {  	p2 =	seq.s32 s10, $0x1;
	s10 =	sld [smem:$0x3FB6]  }
0x3d: {  	_ =	shalt  }
0x3e: {  	_ =	shalt  }
0x3f: {  	_ =	shalt  }
0x40: {  	_ =	shalt  }
0x41: {  	_ =	shalt  }
0x42: {  	_ =	shalt  }
0x43: {  	_ =	shalt  }
0x44: {  	_ =	shalt  }
0x45: {  	_ =	shalt  }
0x46: {  	_ =	shalt  }
0x47: {  	_ =	shalt  }
0x48: {  	_ =	shalt  }
0x49: {  	_ =	shalt  }
0x4a: {  	_ =	shalt  }
0x4b: {  	_ =	shalt  }
0x4c: {  	_ =	shalt  }
0x4d: {  	_ =	shalt  }
0x4e: {  	_ =	shalt  }
0x4f: {  	_ =	shalt  }
0x50: {  	_ =	shalt  }
0x51: {  	_ =	shalt  }
0x52: {  	_ =	shalt  }
0x53: {  	_ =	shalt  }
0x54: {  	_ =	shalt  }
0x55: {  	_ =	shalt  }
0x56: {  	_ =	shalt  }
0x57: {  	_ =	shalt  }
0x58: {  	_ =	shalt  }
0x59: {  	_ =	shalt  }
0x5a: {  	_ =	shalt  }
0x5b: {  	_ =	shalt  }
0x5c: {  	_ =	shalt  }
0x5d: {  	_ =	shalt  }
0x5e: {  	_ =	shalt  }
0x5f: {  	_ =	shalt  }
0x60: {  	_ =	shalt  }
0x61: {  	_ =	shalt  }
0x62: {  	_ =	shalt  }
0x63: {  	_ =	shalt  }
0x64: {  	_ =	shalt  }
0x65: {  	_ =	shalt  }
0x66: {  	_ =	shalt  }
0x67: {  	_ =	shalt  }
0x68: {  	_ =	shalt  }
0x69: {  	_ =	shalt  }
0x6a: {  	_ =	shalt  }
0x6b: {  	_ =	shalt  }
0x6c: {  	_ =	shalt  }
0x6d: {  	_ =	shalt  }
0x6e: {  	_ =	shalt  }
0x6f: {  	_ =	shalt  }
0x70: {  	_ =	shalt  }
0x71: {  	_ =	shalt  }
0x72: {  	_ =	shalt  }
0x73: {  	_ =	shalt  }
0x74: {  	_ =	shalt  }
0x75: {  	_ =	shalt  }
0x76: {  	_ =	shalt  }
0x77: {  	_ =	shalt  }
0x78: {  	_ =	shalt  }
0x79: {  	_ =	shalt  }
0x7a: {  	_ =	shalt  }
0x7b: {  	_ =	shalt  }
0x7c: {  	_ =	shalt  }
0x7d: {  	_ =	shalt  }
0x7e: {  	_ =	shalt  }
0x7f: {  	_ =	shalt  }
0x80: {  	_ =	shalt  }
0x81: {  	_ =	shalt  }
0x82: {  	_ =	shalt  }
0x83: {  	_ =	shalt  }
0x84: {  	_ =	shalt  }
0x85: {  	_ =	shalt  }
0x86: {  	_ =	shalt  }
0x87: {  	_ =	shalt  }
.Lfunc_end0:
.L_simem_size_0:
called_computation_lowered:
.L_overlay_start_0:
0x88: {  	s2 =	sld [smem:$0x3FD9]  }
0x89: {  	s3 =	sld [smem:$0x3FFE];
	_ =	sdelay $0x1  }
0x8a: {  	s1 =	srdreg.scid  }
0x8b: {  	s0 =	sand.u32 $0x1, s1  }
0x8c: {  	s17 =	sshll.u32 s0, $0xA;
	s2 =	sadd.s32 s3, s2  }
0x8d: {  	s2 =	sadd.s32 s2, s17  }
0x8e: {  	[smem:$0x3FC2] =	sst s2  }
0x8f: {  	_ = 	snop  }
0x90: {  	s2 =	sld [smem:$0x3FD0];
	(tm) =	ssettm $0x1  }
0x91: {  	s18 =	sld [smem:$0x3FFB];
	_ =	sdelay $0x3  }
0x92: {  	_ =	strace s18  }
0x93: {  	s3 =	sld [smem:$0x3FFC];
	_ =	sdelay $0x3  }
0x94: {  	_ =	strace s3  }
0x95: {  	s3 =	sld [smem:$0x3FFD];
	_ =	sdelay $0x3  }
0x96: {  	_ =	strace s3  }
0x97: {  	_ =	strace $0x8FFFFFFF  }
0x98: {  	s19 =	sld [smem:$0x3FDB];
	_ =	sdelay $0x1  }
0x99: {  	s4 =	simm.s32 $_scs_section_size  }
0x9a: {  	s5 =	simm.s32 $_size__tile_overlayer_lowered;
	s6 =	simm.s32 $_tile_overlayer_lowered  }
0x9b: {  	s22 =	simm.s32 $0x1BFF;
	s21 =	sshll.u32 s6, $0x1;
	s3 =	sadd.s32 s4, s19  }
0x9c: {  	s7 =	simm.s32 $0x0;
	s20 =	sshll.u32 s5, $0x1;
	s5 =	sadd.s32 s21, s3  }
0x9d: {  	[timem:s7], [sflag:s22] =	dma.local [hbm:s5], s20  }
0x9e: {  	_ =	swait.ge [sflag:s22], s20  }
0x9f: {  	s4 =	ssub.s32 $0x0, s20;
	[sflag:s22] =	ssyncset.done $0x0  }
0xa0: {  	[sflag:s22] =	ssyncadd.s32 s4;
	_ =	sdelay $0x1  }
0xa1: {  	s23 =	simm.s32 $0x1B8B  }
0xa2: {  	_ =	swait.ge [sflag:s23], $0x1  }
0xa3: {  	[sflag:s23] =	ssyncset.done $0x0  }
0xa4: {  	s25 =	simm.s32 $0x1B8E;
	s24 =	sld [smem:$0x3FFE];
	[sflag:s23] =	ssyncadd.s32 $0xFFFFFFFF  }
0xa5: {  	s26 =	simm.s32 $execute0_lowered;
	[smem:$0x3FD2] =	sst s25  }
0xa6: {  	s5 =	sshll.u32 s26, $0x1;
	_ =	strace $0x80000046;
	[dreg:$0x1] =	wrdreg $0xFFFFFFFF  }
0xa7: {  	s28 =	simm.s32 $_size_execute0_lowered;
	s3 =	sadd.s32 s3, s5;
	[dreg:$0x0] =	wrdreg $0x0  }
0xa8: {  	s5 =	sshll.u32 s28, $0x1;
	[dreg:$0x2] =	wrdreg s3  }
0xa9: {  	[dreg:$0x3] =	wrdreg s5  }
0xaa: {  	[dreg:$0x4] =	wrdreg $0xC0  }
0xab: {  	_ =	task [dreg:s7], $0x5FFFF  }
0xac: {  	[dreg:$0x1] =	wrdreg $0xFFFFFFFF  }
0xad: {  	[dreg:$0x0] =	wrdreg $0x60  }
0xae: {  	[dreg:$0x2] =	wrdreg s2  }
0xaf: {  	[dreg:$0x3] =	wrdreg s24  }
0xb0: {  	[dreg:$0x4] =	wrdreg $0x68000  }
0xb1: {  	[dreg:$0x5] =	wrdreg $0x9  }
0xb2: {  	_ =	task.clear_ibuf [dreg:s7], $0x6FFFF;
	_ =	strace $0x90000046  }
0xb3: {  	s29 =	simm.s32 $0x9;
	_ =	strace $0x80000048  }
0xb4: {  	_ =	swait.ge [sflag:s29], $0x1  }
0xb5: {  	[sflag:s29] =	ssyncadd.s32 $0xFFFFFFFF  }
0xb6: {  	_ =	strace $0x90000048  }
0xb7: {  	_ =	sfence  }
0xb8: {  	s30 =	sld [smem:$0x0];
	_ =	sdelay $0x2  }
0xb9: {  	s31 =	sshll.u32 s1, $0xD;
	s1 =	sshrl.u32 s1, $0x2  }
0xba: {  	s3 =	sand.u32 $0x4000, s31;
	s1 =	sadd.s32 s1, s30  }
0xbb: {  	s0 =	sor.u32 s3, s0;
	s1 =	sshll.u32 s1, $0x11  }
0xbc: {  	s0 =	sor.u32 s1, s0  }
0xbd: {  	s0 =	sadd.s32 $0x8F2B, s0  }
0xbe: {  	[sflag:s0] =	ssyncadd.remote.s32 $0x1  }
0xbf: {  	_ =	sfence.sel $0xFFFF  }
0xc0: {  	[dreg:$0x0] =	wrdreg $0xFFFFFFFF;
	(pc) =	sbr.abs _section_cstart, $3  }
0xc1: {  	[dreg:$0x1] =	wrdreg $0xFFFFFFFF  }
0xc2: {  	_ =	task.clear_ibuf [dreg:s7], $0x2FFFF;
	_ =	strace $0x9FFFFFFF  }
0xc3: {  	(tm) =	ssettm $0x7FFFFFFF  }
tec
execute0_lowered:
.L_overlay_start_1:
0x0: {  	(tag) =	ssettag $0x1  }
0x1: {  	s6 =	rddreg [dreg:$0x0]  }
0x2: {  	s7 =	rddreg [dreg:$0x1]  }
0x3: {  	s1 =	rddreg [dreg:$0x2]  }
0x4: {  	s2 =	srdreg.scid;
	s0 =	rddreg [dreg:$0x3]  }
0x5: {  	s3 =	simm.s32 $0x0;
	s13 =	simm.s32 $0x80;
	s14 =	simm.s32 $0x1  }
0x6: {  	s15 =	simm.s32 $0x2;
	s5 =	sand.u32 $0x1, s2;
	s2 =	stileid.u32  }
0x7: {  	s16 =	simm.s32 $0x0;
	[smem:$0x7FF] =	sst s3;
	s8 =	smul.u32 $0x140000, s5  }
0x8: {  	s9 =	smul.u32 $0x14000, s2;
	s4 =	sshll.u32 s5, $0x4;
	_ =	strace $0x80000047  }
0x9: {  	s28 =	ssub.s32 $0x2, s5;
	s11 =	smul.u32 $0x50000, s2;
	s5 =	sadd.s32 $0x800, s7  }
0xa: {  	s31 =	sshll.u32 s2, $0x6;
	s10 =	sor.u32 s2, s4;
	s4 =	sadd.s32 $0x3000, s7  }
0xb: {  	s29 =	sshrl.u32 s28, $0x1;
	s8 =	sadd.s32 s9, s8;
	s26 =	smul.u32 $0x500, s10  }
0xc: {  	s30 =	sshrl.u32 s11, $0x2;
	s9 =	simm.s32 $0x3;
	s10 =	simm.s32 $0x2800  }
0xd: {  	s11 =	sor.u32 $0x1C03, s31;
	s8 =	sshrl.u32 s8, $0x3;
	s12 =	sadd.s32 s30, s1  }
0xe: {  	s7 =	sadd.s32 s8, s7;
	s8 =	ssub.s32 s28, s29;
	s6 =	sadd.s32 s6, s26  }
0xf: {  	s12 =	sshrl.u32 s12, $0x3;
	s7 =	sadd.s32 $0x3800, s7;
	s8 =	smax.u32 s8, $0x1  }
.LBB2_1:
0x10: {  	[tilespmem:s3], [sflag:$0x3] =	stream.linear.gather [hbm4b:s6+s3], $0x2800, $0x38;
	[tilespmem:$0x1A800] =	vst v63  }
0x11: {  	_ =	swait.ge [sflag:s9], $0x2800  }
0x12: {  	[sflag:s9] =	ssyncset.done $0x0  }
0x13: {  	[sflag:s9] =	ssyncadd.s32 $0xFFFFD800  }
0x14: {  	[tilespmem:s10], [sflag:$0x3] =	stream.linear.gather [hbm4b:s4+s3], $0x4000, $0x38;
	[tilespmem:$0x1A800] =	vst v63  }
0x15: {  	_ =	swait.ge [sflag:s9], $0x4000  }
0x16: {  	[sflag:s9] =	ssyncset.done $0x0  }
0x17: {  	[sflag:s9] =	ssyncadd.s32 $0xFFFFC000  }
0x18: {  	[spmem:s12], [sflag:s11] =	dma.local [hbm:s5], $0x2800  }
0x19: {  	_ =	swait.ge [sflag:s9], $0x2800  }
0x1a: {  	[sflag:s9] =	ssyncset.done $0x0  }
0x1b: {  	[sflag:s9] =	ssyncadd.s32 $0xFFFFD800  }
0x1c: {  	[bflag:$0x0] =	sbarrier.arrive $0xFFFF  }
0x1d: {  	[spmem:s1] =	stream.indirect.scatter.add.f32 [tilespmem:s10], [sflag:$0x1], $0x80, s3, s13, $0xb8;
	[tilespmem:$0x1A800] =	vst v63  }
0x1e: {  	_ = 	snop  }
0x1f: {  	[spmem:s1] =	stream.indirect.scatter.add.f32 [tilespmem:s10], [sflag:$0x2], $0x80, s13, s13, $0xb8;
	[tilespmem:$0x1A800] =	vst v63  }
0x20: {  	_ =	swait.ge [sflag:s14], $0x4000  }
0x21: {  	[sflag:s14] =	ssyncset.done $0x0  }
0x22: {  	s17 =	simm.s32 $0x100;
	[sflag:s14] =	ssyncadd.s32 $0xFFFFC000  }
0x23: {  	[spmem:s1] =	stream.indirect.scatter.add.f32 [tilespmem:s10], [sflag:$0x1], $0x80, s17, s13, $0xb8;
	[tilespmem:$0x1A800] =	vst v63  }
0x24: {  	_ =	swait.ge [sflag:s15], $0x4000  }
0x25: {  	[sflag:s15] =	ssyncset.done $0x0  }
0x26: {  	s18 =	simm.s32 $0x180;
	s17 =	simm.s32 $0xFFFF6800;
	[sflag:s15] =	ssyncadd.s32 $0xFFFFC000  }
.LBB2_2:
0x27: {  	[spmem:s1] =	stream.indirect.scatter.add.f32 [tilespmem:s10], [sflag:$0x2], $0x80, s18, s13, $0xb8;
	[tilespmem:$0x1A800] =	vst v63  }
0x28: {  	s18 =	smov.u32 s17  }
0x29: {  	p0 =	sne.s32 s17, $0xFFFFFC00;
	s17 =	sadd.s32 $0x400, s17;
	_ =	swait.ge [sflag:s14], $0x4000  }
0x2a: {  	s18 =	sshra.s32 s18, $0x2;
	[sflag:s14] =	ssyncset.done $0x0  }
.Ltmp0:
0x2b: {  	s19 =	sadd.s32 $0x2800, s18;
	[sflag:s14] =	ssyncadd.s32 $0xFFFFC000;
	(pc) =	sbr.rel @p0 .LBB2_2-.Ltmp0, $4  }
0x2c: {  	[spmem:s1] =	stream.indirect.scatter.add.f32 [tilespmem:s10], [sflag:$0x1], $0x80, s19, s13, $0xb8;
	[tilespmem:$0x1A800] =	vst v63  }
0x2d: {  	_ =	swait.ge [sflag:s15], $0x4000  }
0x2e: {  	[sflag:s15] =	ssyncset.done $0x0  }
0x2f: {  	s18 =	sadd.s32 $0x2880, s18;
	[sflag:s15] =	ssyncadd.s32 $0xFFFFC000  }
0x30: {  	[spmem:s1] =	stream.indirect.scatter.add.f32 [tilespmem:s10], [sflag:$0x2], $0x80, s18, s13, $0xb8;
	[tilespmem:$0x1A800] =	vst v63  }
0x31: {  	_ =	swait.ge [sflag:s14], $0x4000  }
0x32: {  	[sflag:s14] =	ssyncset.done $0x0  }
0x33: {  	[sflag:s14] =	ssyncadd.s32 $0xFFFFC000  }
0x34: {  	_ =	swait.ge [sflag:s15], $0x4000  }
0x35: {  	s16 =	sadd.s32 $0x1, s16;
	[sflag:s15] =	ssyncset.done $0x0  }
0x36: {  	p0 =	sne.s32 s16, s8;
	[sflag:s15] =	ssyncadd.s32 $0xFFFFC000  }
.Ltmp1:
0x37: {  	[bflag:$0x0] =	sbarrier.arrive $0xFFFF;
	(pc) =	sbr.rel @p0 .LBB2_1-.Ltmp1, $4  }
0x38: {  	[hbm:s7], [sflag:s11] =	dma.local [spmem:s12], $0x2800  }
0x39: {  	_ =	swait.ge [sflag:s9], $0x2800  }
0x3a: {  	[sflag:s9] =	ssyncset.done $0x0  }
0x3b: {  	[sflag:s9] =	ssyncadd.s32 $0xFFFFD800  }
0x3c: {  	_ =	sfence.sel $0x180000  }
0x3d: {  	[bflag:$0x0] =	sbarrier.arrive $0xFFFF  }
0x3e: {  	p0 =	sne.s32 s2, $0x0;
	_ =	strace $0x90000047  }
0x3f: {  	s0 =	sadd.s32 @!p0 $0x100000, s0;
	[bflag:$0x2] =	sbarrier.arrive $0xFFFF  }
0x40: {  	[sflag:s0] =	ssyncadd.tile.s32 @!p0 $0x1;
	_ =	shalt  }
.Lfunc_end2:
_tile_overlayer_lowered:
.L_overlay_start_2:
0x41: {  	(tag) =	ssettag $0x2  }
0x42: {  	s0 =	rddreg [dreg:$0x0];
	s2 =	stileid.u32  }
0x43: {  	s1 =	rddreg [dreg:$0x1];
	p0 =	sne.s32 s2, $0x0  }
0x44: {  	s3 =	rddreg [dreg:$0x2];
	[bflag:$0x3] =	sbarrier.arrive $0xFFFF;
	s2 =	simm.s32 @!p0 $0x1C03  }
0x45: {  	[timem:s3], [sflag:s2] =	dma.local @!p0 [hbm:s0], s1  }
0x46: {  	s0 =	simm.s32 @!p0 $0x3  }
0x47: {  	_ =	swait.ge @!p0 [sflag:s0], s1  }
0x48: {  	s1 =	ssub.s32 @!p0 $0x0, s1;
	[sflag:s0] =	ssyncset.done @!p0 $0x0  }
0x49: {  	[sflag:s0] =	ssyncadd.s32 @!p0 s1  }
0x4a: {  	[bflag:$0x3] =	sbarrier.arrive $0xFFFF  }
0x4b: {  	_ =	shalt  }

// kernel: kernel.9.cloned.1.call-start
scs
__scs_entry_jumppad:
0x0: {  	(pc) =	sbr.rel $0x88, $3  }
0x1: {  	(tag) =	ssettag $0x0;
	lr =	simm.s32 $0x1  }
0x2: {  	[smem:$0x3F9B] =	sst lr;
	_ =	strace $0xD0000000  }
0x3: {  	_ = 	snop  }
0x4: {  	_ = 	snop  }
0x5: {  	_ = 	snop  }
0x6: {  	_ = 	snop  }
0x7: {  	_ = 	snop  }
__scs_overlays_trampoline_lowered:
0x8: {  	[smem:$0x3FAA] =	sst s0  }
0x9: {  	[smem:$0x3FAB] =	sst s1  }
0xa: {  	[smem:$0x3FAC] =	sst s2  }
0xb: {  	[smem:$0x3FAD] =	sst s3  }
0xc: {  	[smem:$0x3FAE] =	sst s4  }
0xd: {  	[smem:$0x3FAF] =	sst s5  }
0xe: {  	[smem:$0x3FB0] =	sst s6  }
0xf: {  	[smem:$0x3FB1] =	sst s7  }
0x10: {  	[smem:$0x3FB2] =	sst s8  }
0x11: {  	[smem:$0x3FB3] =	sst s9;
	s0 =	simm.s32 @!p0 $0x0  }
0x12: {  	s1 =	sld [smem:$0x3F99];
	s0 =	simm.s32 @p0 $0x1  }
0x13: {  	[smem:$0x3FB4] =	sst s0;
	s0 =	simm.s32 @!p1 $0x0  }
0x14: {  	s2 =	sld [smem:$0x3F98];
	s0 =	simm.s32 @p1 $0x1  }
0x15: {  	[smem:$0x3FB5] =	sst s0;
	s0 =	simm.s32 @!p2 $0x0  }
0x16: {  	s3 =	sld [smem:$0x3FDB];
	s0 =	simm.s32 @p2 $0x1  }
0x17: {  	s4 =	simm.s32 $0x1BF5;
	[smem:$0x3FB7] =	sst s0  }
0x18: {  	s0 =	sld [smem:$0x3F9A];
	_ =	swait.ge [sflag:s4], $0x0  }
0x19: {  	s7 =	sld [smem:$0x3F9B]  }
0x1a: {  	s8 =	sadd.s32 $0xFFFFE003, lr  }
0x1b: {  	s9 =	sadd.s32 $0xFFFFFEF7, lr;
	s5 =	simm.s32 $0xFFFFFFFF;
	p2 =	slt.u32 s8, $0xFFFFF086  }
0x1c: {  	p1 =	slt.u32 s9, $0xF7A;
	s5 =	simm.s32 @!p2 $0x0  }
0x1d: {  	s5 =	simm.s32 @p1 $0x1;
	p0 =	seq.s32 s7, s2  }
0x1e: {  	s7 =	smul.u32 @!p0 $0xF7A, s2;
	p2 =	seq.s32 @!p0 s5, $0x0  }
0x1f: {  	s9 =	smul.u32 $0xF7A, s1;
	s8 =	simm.s32 @!p0 $0x1BF5;
	p2 =	por !p2, p0  }
0x20: {  	[sflag:s8] =	ssyncset.s32 @!p0 $0xFFFFF086;
	s6 =	sadd.s32 @!p0 s3, s7;
	s7 =	simm.s32 @!p0 $0x108  }
0x21: {  	s3 =	sadd.s32 s3, s9;
	s6 =	sadd.s32 @!p0 $0x88, s6;
	s7 =	simm.s32 @p2 $0x1082  }
0x22: {  	[simem:s7], [sflag:s8] =	dma.local @!p0 [hbm:s6], $0xF7A  }
0x23: {  	s9 =	sor.u32 $0xD0000000, s2;
	s6 =	simm.s32 $0x108;
	_ =	swait.ge @!p0 [sflag:s8], $0x0  }
0x24: {  	s3 =	sadd.s32 $0x88, s3;
	s6 =	simm.s32 @!p1 $0x1082;
	[sflag:s4] =	ssyncset.s32 $0xFFFFF086  }
0x25: {  	[simem:s6], [sflag:s4] =	dma.local [hbm:s3], $0xF7A  }
0x26: {  	[smem:$0x3F9B] =	sst s1;
	(tag) =	ssettag s2;
	_ =	strace s9  }
0x27: {  	s1 =	sld [smem:$0x3FAB]  }
0x28: {  	s2 =	sld [smem:$0x3FAC]  }
0x29: {  	s4 =	sld [smem:$0x3FAE]  }
0x2a: {  	p0 =	seq.s32 s5, $0x0;
	s5 =	sld [smem:$0x3FAF]  }
0x2b: {  	s6 =	sld [smem:$0x3FB0]  }
0x2c: {  	s7 =	sld [smem:$0x3FB1]  }
0x2d: {  	s3 =	simm.s32 $0x108;
	s8 =	sld [smem:$0x3FB2]  }
0x2e: {  	s3 =	simm.s32 @!p0 $0x1082;
	s9 =	sld [smem:$0x3FB3]  }
0x2f: {  	lr =	sadd.s32 s0, s3;
	s0 =	sld [smem:$0x3FAA]  }
0x30: {  	s3 =	sld [smem:$0x3FAD]  }
0x31: {  	[smem:$0x3FB6] =	sst s10  }
0x32: {  	s10 =	sld [smem:$0x3FB4];
	_ =	sdelay $0x3  }
0x33: {  	p0 =	seq.s32 s10, $0x1;
	s10 =	sld [smem:$0x3FB6];
	_ =	sdelay $0x3  }
0x34: {  	[smem:$0x3FB6] =	sst s10  }
0x35: {  	s10 =	sld [smem:$0x3FB5];
	_ =	sdelay $0x3  }
0x36: {  	p1 =	seq.s32 s10, $0x1;
	s10 =	sld [smem:$0x3FB6];
	_ =	sdelay $0x3  }
0x37: {  	[smem:$0x3FB6] =	sst s10  }
0x38: {  	s10 =	sld [smem:$0x3FB7]  }
0x39: {  	_ = 	snop;
	(pc) =	sbr.ind lr, $3  }
0x3a: {  	_ = 	snop  }
0x3b: {  	_ = 	snop  }
0x3c: {  	p2 =	seq.s32 s10, $0x1;
	s10 =	sld [smem:$0x3FB6]  }
0x3d: {  	_ =	shalt  }
0x3e: {  	_ =	shalt  }
0x3f: {  	_ =	shalt  }
0x40: {  	_ =	shalt  }
0x41: {  	_ =	shalt  }
0x42: {  	_ =	shalt  }
0x43: {  	_ =	shalt  }
0x44: {  	_ =	shalt  }
0x45: {  	_ =	shalt  }
0x46: {  	_ =	shalt  }
0x47: {  	_ =	shalt  }
0x48: {  	_ =	shalt  }
0x49: {  	_ =	shalt  }
0x4a: {  	_ =	shalt  }
0x4b: {  	_ =	shalt  }
0x4c: {  	_ =	shalt  }
0x4d: {  	_ =	shalt  }
0x4e: {  	_ =	shalt  }
0x4f: {  	_ =	shalt  }
0x50: {  	_ =	shalt  }
0x51: {  	_ =	shalt  }
0x52: {  	_ =	shalt  }
0x53: {  	_ =	shalt  }
0x54: {  	_ =	shalt  }
0x55: {  	_ =	shalt  }
0x56: {  	_ =	shalt  }
0x57: {  	_ =	shalt  }
0x58: {  	_ =	shalt  }
0x59: {  	_ =	shalt  }
0x5a: {  	_ =	shalt  }
0x5b: {  	_ =	shalt  }
0x5c: {  	_ =	shalt  }
0x5d: {  	_ =	shalt  }
0x5e: {  	_ =	shalt  }
0x5f: {  	_ =	shalt  }
0x60: {  	_ =	shalt  }
0x61: {  	_ =	shalt  }
0x62: {  	_ =	shalt  }
0x63: {  	_ =	shalt  }
0x64: {  	_ =	shalt  }
0x65: {  	_ =	shalt  }
0x66: {  	_ =	shalt  }
0x67: {  	_ =	shalt  }
0x68: {  	_ =	shalt  }
0x69: {  	_ =	shalt  }
0x6a: {  	_ =	shalt  }
0x6b: {  	_ =	shalt  }
0x6c: {  	_ =	shalt  }
0x6d: {  	_ =	shalt  }
0x6e: {  	_ =	shalt  }
0x6f: {  	_ =	shalt  }
0x70: {  	_ =	shalt  }
0x71: {  	_ =	shalt  }
0x72: {  	_ =	shalt  }
0x73: {  	_ =	shalt  }
0x74: {  	_ =	shalt  }
0x75: {  	_ =	shalt  }
0x76: {  	_ =	shalt  }
0x77: {  	_ =	shalt  }
0x78: {  	_ =	shalt  }
0x79: {  	_ =	shalt  }
0x7a: {  	_ =	shalt  }
0x7b: {  	_ =	shalt  }
0x7c: {  	_ =	shalt  }
0x7d: {  	_ =	shalt  }
0x7e: {  	_ =	shalt  }
0x7f: {  	_ =	shalt  }
0x80: {  	_ =	shalt  }
0x81: {  	_ =	shalt  }
0x82: {  	_ =	shalt  }
0x83: {  	_ =	shalt  }
0x84: {  	_ =	shalt  }
0x85: {  	_ =	shalt  }
0x86: {  	_ =	shalt  }
0x87: {  	_ =	shalt  }
.Lfunc_end0:
.L_simem_size_0:
called_computation.1_lowered:
.L_overlay_start_0:
0x88: {  	s2 =	sld [smem:$0x3FD9]  }
0x89: {  	s3 =	sld [smem:$0x3FFE];
	_ =	sdelay $0x1  }
0x8a: {  	s1 =	srdreg.scid  }
0x8b: {  	s0 =	sand.u32 $0x1, s1  }
0x8c: {  	s17 =	sshll.u32 s0, $0xA;
	s2 =	sadd.s32 s3, s2  }
0x8d: {  	s2 =	sadd.s32 s2, s17  }
0x8e: {  	[smem:$0x3FC2] =	sst s2  }
0x8f: {  	_ = 	snop  }
0x90: {  	s2 =	sld [smem:$0x3FD0];
	(tm) =	ssettm $0x1  }
0x91: {  	s18 =	sld [smem:$0x3FFB];
	_ =	sdelay $0x3  }
0x92: {  	_ =	strace s18  }
0x93: {  	s3 =	sld [smem:$0x3FFC];
	_ =	sdelay $0x3  }
0x94: {  	_ =	strace s3  }
0x95: {  	s3 =	sld [smem:$0x3FFD];
	_ =	sdelay $0x3  }
0x96: {  	_ =	strace s3  }
0x97: {  	_ =	strace $0x8FFFFFFF  }
0x98: {  	s19 =	sld [smem:$0x3FDB];
	_ =	sdelay $0x1  }
0x99: {  	s4 =	simm.s32 $_scs_section_size  }
0x9a: {  	s5 =	simm.s32 $_size__tile_overlayer_lowered;
	s6 =	simm.s32 $_tile_overlayer_lowered  }
0x9b: {  	s22 =	simm.s32 $0x1BFF;
	s21 =	sshll.u32 s6, $0x1;
	s3 =	sadd.s32 s4, s19  }
0x9c: {  	s7 =	simm.s32 $0x0;
	s20 =	sshll.u32 s5, $0x1;
	s5 =	sadd.s32 s21, s3  }
0x9d: {  	[timem:s7], [sflag:s22] =	dma.local [hbm:s5], s20  }
0x9e: {  	_ =	swait.ge [sflag:s22], s20  }
0x9f: {  	s4 =	ssub.s32 $0x0, s20;
	[sflag:s22] =	ssyncset.done $0x0  }
0xa0: {  	[sflag:s22] =	ssyncadd.s32 s4;
	_ =	sdelay $0x1  }
0xa1: {  	s23 =	simm.s32 $0x1B8B  }
0xa2: {  	_ =	swait.ge [sflag:s23], $0x1  }
0xa3: {  	[sflag:s23] =	ssyncset.done $0x0  }
0xa4: {  	s25 =	simm.s32 $0x1B8E;
	s24 =	sld [smem:$0x3FFE];
	[sflag:s23] =	ssyncadd.s32 $0xFFFFFFFF  }
0xa5: {  	s26 =	simm.s32 $execute0_lowered;
	[smem:$0x3FD2] =	sst s25  }
0xa6: {  	s5 =	sshll.u32 s26, $0x1;
	_ =	strace $0x80000049;
	[dreg:$0x1] =	wrdreg $0xFFFFFFFF  }
0xa7: {  	s28 =	simm.s32 $_size_execute0_lowered;
	s3 =	sadd.s32 s3, s5;
	[dreg:$0x0] =	wrdreg $0x0  }
0xa8: {  	s5 =	sshll.u32 s28, $0x1;
	[dreg:$0x2] =	wrdreg s3  }
0xa9: {  	[dreg:$0x3] =	wrdreg s5  }
0xaa: {  	[dreg:$0x4] =	wrdreg $0xC0  }
0xab: {  	_ =	task [dreg:s7], $0x5FFFF  }
0xac: {  	[dreg:$0x1] =	wrdreg $0xFFFFFFFF  }
0xad: {  	[dreg:$0x0] =	wrdreg $0x60  }
0xae: {  	[dreg:$0x2] =	wrdreg s2  }
0xaf: {  	[dreg:$0x3] =	wrdreg s24  }
0xb0: {  	[dreg:$0x4] =	wrdreg $0x98000  }
0xb1: {  	[dreg:$0x5] =	wrdreg $0x9  }
0xb2: {  	_ =	task.clear_ibuf [dreg:s7], $0x6FFFF;
	_ =	strace $0x90000049  }
0xb3: {  	s29 =	simm.s32 $0x9;
	_ =	strace $0x8000004B  }
0xb4: {  	_ =	swait.ge [sflag:s29], $0x1  }
0xb5: {  	[sflag:s29] =	ssyncadd.s32 $0xFFFFFFFF  }
0xb6: {  	_ =	strace $0x9000004B  }
0xb7: {  	_ =	sfence  }
0xb8: {  	s30 =	sld [smem:$0x0];
	_ =	sdelay $0x2  }
0xb9: {  	s31 =	sshll.u32 s1, $0xD;
	s1 =	sshrl.u32 s1, $0x2  }
0xba: {  	s3 =	sand.u32 $0x4000, s31;
	s1 =	sadd.s32 s1, s30  }
0xbb: {  	s0 =	sor.u32 s3, s0;
	s1 =	sshll.u32 s1, $0x11  }
0xbc: {  	s0 =	sor.u32 s1, s0  }
0xbd: {  	s0 =	sadd.s32 $0x8F2B, s0  }
0xbe: {  	[sflag:s0] =	ssyncadd.remote.s32 $0x1  }
0xbf: {  	_ =	sfence.sel $0xFFFF  }
0xc0: {  	[dreg:$0x0] =	wrdreg $0xFFFFFFFF;
	(pc) =	sbr.abs _section_cstart, $3  }
0xc1: {  	[dreg:$0x1] =	wrdreg $0xFFFFFFFF  }
0xc2: {  	_ =	task.clear_ibuf [dreg:s7], $0x2FFFF;
	_ =	strace $0x9FFFFFFF  }
0xc3: {  	(tm) =	ssettm $0x7FFFFFFF  }
tec
execute0_lowered:
.L_overlay_start_1:
0x0: {  	(tag) =	ssettag $0x1  }
0x1: {  	s1 =	rddreg [dreg:$0x0]  }
0x2: {  	s0 =	srdreg.scid;
	s6 =	rddreg [dreg:$0x1]  }
0x3: {  	s3 =	rddreg [dreg:$0x2];
	s4 =	simm.s32 $0x0;
	s14 =	simm.s32 $0x80  }
0x4: {  	s15 =	simm.s32 $0x5800;
	s16 =	simm.s32 $0x1;
	s5 =	sand.u32 $0x1, s0  }
0x5: {  	s17 =	simm.s32 $0x0;
	s0 =	stileid.u32;
	s8 =	smul.u32 $0x140000, s5  }
0x6: {  	[smem:$0x7FF] =	sst s4;
	s2 =	sshll.u32 s5, $0x4;
	s9 =	smul.u32 $0x14000, s0  }
0x7: {  	s30 =	ssub.s32 $0x2, s5;
	s11 =	smul.u32 $0x50000, s0;
	s5 =	sadd.s32 $0x800, s6  }
0x8: {  	s12 =	sshll.u32 s0, $0x6;
	s2 =	sor.u32 s0, s2;
	s10 =	sshrl.u32 s30, $0x1  }
0x9: {  	s12 =	sor.u32 $0x1C02, s12;
	s7 =	smul.u32 $0x580, s2;
	s2 =	rddreg [dreg:$0x3]  }
0xa: {  	_ =	strace $0x8000004A;
	s8 =	sadd.s32 s9, s8;
	s9 =	ssub.s32 s30, s10  }
0xb: {  	s31 =	sshrl.u32 s11, $0x2;
	s10 =	simm.s32 $0x2;
	s11 =	simm.s32 $0x2C00  }
0xc: {  	s8 =	sshrl.u32 s8, $0x3;
	s13 =	sadd.s32 s31, s3;
	s9 =	smax.u32 s9, $0x1  }
0xd: {  	s7 =	sadd.s32 s7, s6;
	s8 =	sadd.s32 s8, s6;
	s13 =	sshrl.u32 s13, $0x3  }
0xe: {  	s6 =	sadd.s32 $0x5E800, s7;
	s7 =	sadd.s32 $0x53800, s7;
	s8 =	sadd.s32 $0x69800, s8  }
.LBB2_1:
0xf: {  	[tilespmem:s4], [sflag:$0x2] =	stream.linear.gather [hbm4b:s6+s4], $0x2900, $0x38;
	[tilespmem:$0x1D800] =	vst v63  }
0x10: {  	_ =	swait.ge [sflag:s10], $0x2900  }
0x11: {  	[sflag:s10] =	ssyncset.done $0x0  }
0x12: {  	[sflag:s10] =	ssyncadd.s32 $0xFFFFD700  }
0x13: {  	[tilespmem:s11], [sflag:$0x2] =	stream.linear.gather [hbm4b:s7+s4], $0x2900, $0x38;
	[tilespmem:$0x1D800] =	vst v63  }
0x14: {  	_ =	swait.ge [sflag:s10], $0x2900  }
0x15: {  	[sflag:s10] =	ssyncset.done $0x0  }
0x16: {  	[sflag:s10] =	ssyncadd.s32 $0xFFFFD700  }
0x17: {  	[spmem:s13], [sflag:s12] =	dma.local [hbm:s5], $0x2800  }
0x18: {  	_ =	swait.ge [sflag:s10], $0x2800  }
0x19: {  	[sflag:s10] =	ssyncset.done $0x0  }
0x1a: {  	[sflag:s10] =	ssyncadd.s32 $0xFFFFD800  }
0x1b: {  	s18 =	simm.s32 $0x0;
	[bflag:$0x0] =	sbarrier.arrive $0xFFFF  }
0x1c: {  	[tilespmem:s15], [sflag:$0x1] =	stream.indirect.gather [hbm4b:s1+s14], $0x80, s18, s14, $0xb8;
	[tilespmem:$0x1D800] =	vst v63  }
0x1d: {  	_ =	swait.ge [sflag:s16], $0x4000  }
0x1e: {  	[sflag:s16] =	ssyncset.done $0x0  }
0x1f: {  	s31 =	simm.s32 $0x2C00;
	[sflag:s16] =	ssyncadd.s32 $0xFFFFC000  }
0x20: {  	[spmem:s3] =	stream.indirect.scatter.add.f32 [tilespmem:s15], [sflag:$0x2], $0x80, s31, s14, $0xb8;
	[tilespmem:$0x1D800] =	vst v63  }
0x21: {  	_ =	swait.ge [sflag:s10], $0x4000  }
0x22: {  	s19 =	simm.s32 $0x400;
	s18 =	simm.s32 $0x200;
	[sflag:s10] =	ssyncset.done $0x0  }
.LBB2_2:
0x23: {  	s20 =	sshra.s32 s18, $0x2  }
0x24: {  	[sflag:s10] =	ssyncadd.s32 $0xFFFFC000;
	s18 =	smov.u32 s19;
	s21 =	sadd.s32 $0x200, s19  }
0x25: {  	[tilespmem:s15], [sflag:$0x1] =	stream.indirect.gather [hbm4b:s1+s14], $0x80, s20, s14, $0xb8;
	[tilespmem:$0x1D800] =	vst v63  }
0x26: {  	p0 =	sne.s32 s19, $0xA200;
	_ =	swait.ge [sflag:s16], $0x4000  }
.Ltmp0:
0x27: {  	[sflag:s16] =	ssyncset.done $0x0;
	(pc) =	sbr.rel @p0 .LBB2_2-.Ltmp0, $4  }
0x28: {  	s19 =	sadd.s32 $0x2C00, s20;
	[sflag:s16] =	ssyncadd.s32 $0xFFFFC000  }
0x29: {  	[spmem:s3] =	stream.indirect.scatter.add.f32 [tilespmem:s15], [sflag:$0x2], $0x80, s19, s14, $0xb8;
	[tilespmem:$0x1D800] =	vst v63  }
0x2a: {  	_ =	swait.ge [sflag:s10], $0x4000  }
0x2b: {  	s19 =	smov.u32 s21;
	[sflag:s10] =	ssyncset.done $0x0  }
0x2c: {  	s18 =	sshra.s32 s18, $0x2;
	[sflag:s10] =	ssyncadd.s32 $0xFFFFC000  }
0x2d: {  	[tilespmem:s15], [sflag:$0x1] =	stream.indirect.gather [hbm4b:s1+s14], $0x80, s18, s14, $0xb8;
	[tilespmem:$0x1D800] =	vst v63  }
0x2e: {  	_ =	swait.ge [sflag:s16], $0x4000  }
0x2f: {  	[sflag:s16] =	ssyncset.done $0x0  }
0x30: {  	s18 =	sadd.s32 $0x2C00, s18;
	[sflag:s16] =	ssyncadd.s32 $0xFFFFC000  }
0x31: {  	[spmem:s3] =	stream.indirect.scatter.add.f32 [tilespmem:s15], [sflag:$0x2], $0x80, s18, s14, $0xb8;
	[tilespmem:$0x1D800] =	vst v63  }
0x32: {  	_ =	swait.ge [sflag:s10], $0x4000  }
0x33: {  	s17 =	sadd.s32 $0x1, s17;
	[sflag:s10] =	ssyncset.done $0x0  }
0x34: {  	p0 =	sne.s32 s17, s9;
	[sflag:s10] =	ssyncadd.s32 $0xFFFFC000  }
.Ltmp1:
0x35: {  	[bflag:$0x0] =	sbarrier.arrive $0xFFFF;
	(pc) =	sbr.rel @p0 .LBB2_1-.Ltmp1, $4  }
0x36: {  	[hbm:s8], [sflag:s12] =	dma.local [spmem:s13], $0x2800  }
0x37: {  	_ =	swait.ge [sflag:s10], $0x2800  }
0x38: {  	[sflag:s10] =	ssyncset.done $0x0  }
0x39: {  	[sflag:s10] =	ssyncadd.s32 $0xFFFFD800  }
0x3a: {  	_ =	sfence.sel $0x180000  }
0x3b: {  	[bflag:$0x0] =	sbarrier.arrive $0xFFFF  }
0x3c: {  	p0 =	sne.s32 s0, $0x0;
	_ =	strace $0x9000004A  }
0x3d: {  	s0 =	sadd.s32 @!p0 $0x100000, s2;
	[bflag:$0x2] =	sbarrier.arrive $0xFFFF  }
0x3e: {  	[sflag:s0] =	ssyncadd.tile.s32 @!p0 $0x1;
	_ =	shalt  }
.Lfunc_end2:
_tile_overlayer_lowered:
.L_overlay_start_2:
0x3f: {  	(tag) =	ssettag $0x2  }
0x40: {  	s0 =	rddreg [dreg:$0x0];
	s2 =	stileid.u32  }
0x41: {  	s1 =	rddreg [dreg:$0x1];
	p0 =	sne.s32 s2, $0x0  }
0x42: {  	s3 =	rddreg [dreg:$0x2];
	[bflag:$0x3] =	sbarrier.arrive $0xFFFF;
	s2 =	simm.s32 @!p0 $0x1C02  }
0x43: {  	[timem:s3], [sflag:s2] =	dma.local @!p0 [hbm:s0], s1  }
0x44: {  	s0 =	simm.s32 @!p0 $0x2  }
0x45: {  	_ =	swait.ge @!p0 [sflag:s0], s1  }
0x46: {  	s1 =	ssub.s32 @!p0 $0x0, s1;
	[sflag:s0] =	ssyncset.done @!p0 $0x0  }
0x47: {  	[sflag:s0] =	ssyncadd.s32 @!p0 s1  }
0x48: {  	[bflag:$0x3] =	sbarrier.arrive $0xFFFF  }
0x49: {  	_ =	shalt  }

</sc_bundles>
